<compile_context>
chip_gen: v7x
topology: tpu7x:2x2x1
jax: 0.10.2.dev20260603
libtpu: 0.0.44.dev20260713+nightly
codegen_flags: <defaults>
</compile_context>

<pallas_src>
import functools

import jax
import jax.numpy as jnp
from jax import lax
from jax.experimental import pallas as pl
from jax.experimental.pallas import tpu as pltpu
from jax.experimental.pallas import tpu_sc as plsc

_B, _M, _FEAT, _ENC = 16, 2048, 3, 256
_H1, _H2 = 128, 256
_N = _B * _M
_PHASES = 4
_CHUNK = 256
_NCH = _M // _CHUNK
_ROWLEN = _M * _FEAT



_XPADW = 16

_GDN = lax.GatherDimensionNumbers(offset_dims=(), collapsed_slice_dims=(0,),
                                  start_index_map=(0,))


def _take16(v, idx):
    return lax.gather(v, idx[:, None], dimension_numbers=_GDN,
                      slice_sizes=(1,),
                      mode=lax.GatherScatterMode.PROMISE_IN_BOUNDS)


def _prefix16(v, lanes):
    for d in (1, 2, 4, 8):
        shifted = _take16(v, jnp.maximum(lanes - d, 0))
        ge = jnp.minimum(jnp.maximum(lanes - (d - 1), 0), 1)
        v = v + shifted * ge
    return v


def _sc_body(xp_hbm, mask_hbm, xc_hbm, cnt_hbm, mvec, idxg, gat, cntv, sem):
    wid = lax.axis_index("s") * 2 + lax.axis_index("c")

    @pl.when(wid < _B)
    def _work():
        base_tok = wid * _M
        pltpu.sync_copy(mask_hbm.at[pl.ds(base_tok, _M)], mvec)
        fill = jnp.full((16,), base_tok, jnp.int32)

        def init(j, _):
            idxg[pl.ds(j * 16, 16)] = fill
            return 0

        lax.fori_loop(0, _M // 16, init, 0)

        lanes = lax.iota(jnp.int32, 16)

        def step(j, carry):
            cnt, packed = carry
            mv = mvec[pl.ds(j * 16, 16)]
            pos = _prefix16(mv, lanes)
            dst = pos - 1
            gidv = base_tok + j * 16 + lanes
            for l in range(16):
                eq = 1 - jnp.minimum(jnp.abs(lanes - dst[l]), 1)
                sel = eq * mv[l]
                packed = packed + (gidv[l] - packed) * sel
            idxg[pl.ds(cnt, 16)] = packed
            return cnt + pos[15], packed

        total, _ = lax.fori_loop(
            0, _M // 16, step,
            (jnp.int32(0), jnp.full((16,), base_tok, jnp.int32)))
        cntv[...] = lanes * 0 + total
        pltpu.async_copy(xp_hbm.at[idxg], gat, sem).wait()
        pltpu.sync_copy(gat, xc_hbm.at[wid])
        pltpu.sync_copy(cntv, cnt_hbm.at[wid])


def _sc_compact(x_pad, mask_i32):
    mesh = plsc.VectorSubcoreMesh(core_axis_name="c", subcore_axis_name="s")
    kern = functools.partial(
        pl.kernel,
        mesh=mesh,
        out_type=(
            jax.ShapeDtypeStruct((_B, _M, _XPADW), jnp.float32),
            jax.ShapeDtypeStruct((_B, 16), jnp.int32),
        ),
        scratch_types=[
            pltpu.VMEM((_M,), jnp.int32),
            pltpu.VMEM((_M,), jnp.int32),
            pltpu.VMEM((_M, _XPADW), jnp.float32),
            pltpu.VMEM((16,), jnp.int32),
            pltpu.SemaphoreType.DMA,
        ],
        compiler_params=pltpu.CompilerParams(use_tc_tiling_on_sc=False),
    )(_sc_body)
    return kern(x_pad, mask_i32)



def _tc_body(cnt_ref, x_ref, W1_ref, b1_ref, g1_ref, be1_ref, W2_ref,
             b2_ref, W3_ref, b3_ref, g2_ref, be2_ref, W4_ref, b4_ref,
             out_ref,
             h1p, hm, h2p, pooled, pp, cnt_v, sum1, sq1, scale1,
             shift1, sum2, sq2, scale2, shift2):
    s = pl.program_id(0)
    i = lax.rem(s, _B)
    phase = lax.div(s, _B)
    ci = cnt_ref[i, 0]
    nch = jnp.maximum(lax.div(ci + (_CHUNK - 1), _CHUNK), 1)
    rowid = lax.broadcasted_iota(jnp.int32, (_CHUNK, 1), 0)

    @pl.when(s == 0)
    def _init():
        cnt_v[...] = jnp.zeros_like(cnt_v)
        sum1[...] = jnp.zeros_like(sum1)
        sq1[...] = jnp.zeros_like(sq1)
        sum2[...] = jnp.zeros_like(sum2)
        sq2[...] = jnp.zeros_like(sq2)

    @pl.when(phase == 0)
    def _p1():
        cnt_v[...] += ci.astype(jnp.float32)

        def chunk(k, _):
            r = pl.ds(i * _M + k * _CHUNK, _CHUNK)
            xb = x_ref[pl.ds(k * _CHUNK, _CHUNK), :]
            valid = (rowid + k * _CHUNK) < ci
            h = jnp.dot(xb, W1_ref[...], preferred_element_type=jnp.float32)
            h = h + b1_ref[...]
            h1p[r, :] = h.astype(jnp.bfloat16)
            hmask = jnp.where(valid, h, 0.0)
            sum1[...] += jnp.sum(hmask, axis=0, keepdims=True)
            sq1[...] += jnp.sum(hmask * h, axis=0, keepdims=True)
            return 0

        lax.fori_loop(0, nch, chunk, 0)

    @pl.when(jnp.logical_and(phase == 1, i == 0))
    def _fin1():
        inv = 1.0 / cnt_v[:, :1]
        mean = sum1[...] * inv
        var = sq1[...] * inv - mean * mean
        sc = g1_ref[...] * jax.lax.rsqrt(var + 1e-5)
        scale1[...] = sc
        shift1[...] = be1_ref[...] - mean * sc

    @pl.when(phase == 1)
    def _p2():
        pooled[pl.ds(i, 1), :] = jnp.broadcast_to(
            jnp.where(ci < _M, 0.0, -jnp.inf), (1, _H2))

        def chunk(k, _):
            r = pl.ds(i * _M + k * _CHUNK, _CHUNK)
            valid = (rowid + k * _CHUNK) < ci
            hp = h1p[r, :].astype(jnp.float32)
            hn = jnp.maximum(hp * scale1[...] + shift1[...], 0.0)
            hv = jnp.dot(hn.astype(jnp.bfloat16),
                         W2_ref[...].astype(jnp.bfloat16),
                         preferred_element_type=jnp.float32)
            hmv = jnp.where(valid, hv + b2_ref[...], 0.0)
            hm[r, :] = hmv.astype(jnp.bfloat16)
            pm = jnp.max(hmv, axis=0, keepdims=True)
            pooled[pl.ds(i, 1), :] = jnp.maximum(pooled[pl.ds(i, 1), :], pm)
            return 0

        lax.fori_loop(0, nch, chunk, 0)

    @pl.when(jnp.logical_and(phase == 2, i == 0))
    def _pp():
        pp[...] = jnp.dot(pooled[...], W3_ref[_H2:, :],
                          preferred_element_type=jnp.float32) + b3_ref[...]

    @pl.when(phase == 2)
    def _p3():
        def chunk(k, _):
            r = pl.ds(i * _M + k * _CHUNK, _CHUNK)
            valid = (rowid + k * _CHUNK) < ci
            hv = hm[r, :]
            h2 = jnp.dot(hv, W3_ref[:_H2, :].astype(jnp.bfloat16),
                         preferred_element_type=jnp.float32)
            h2 = h2 + pp[pl.ds(i, 1), :]
            h2p[r, :] = h2.astype(jnp.bfloat16)
            h2m = jnp.where(valid, h2, 0.0)
            sum2[...] += jnp.sum(h2m, axis=0, keepdims=True)
            sq2[...] += jnp.sum(h2m * h2, axis=0, keepdims=True)
            return 0

        lax.fori_loop(0, nch, chunk, 0)

    @pl.when(jnp.logical_and(phase == 3, i == 0))
    def _fin2():
        inv = 1.0 / cnt_v[:, :1]
        mean = sum2[...] * inv
        var = sq2[...] * inv - mean * mean
        sc = g2_ref[...] * jax.lax.rsqrt(var + 1e-5)
        scale2[...] = sc
        shift2[...] = be2_ref[...] - mean * sc

    @pl.when(phase == 3)
    def _p4():
        out_ref[pl.ds(i, 1), :] = jnp.broadcast_to(
            jnp.where(ci < _M, 0.0, -jnp.inf), (1, _ENC))

        def chunk(k, _):
            r = pl.ds(i * _M + k * _CHUNK, _CHUNK)
            valid = (rowid + k * _CHUNK) < ci
            h2 = h2p[r, :].astype(jnp.float32)
            h2n = jnp.maximum(h2 * scale2[...] + shift2[...], 0.0)
            o = jnp.dot(h2n.astype(jnp.bfloat16),
                        W4_ref[...].astype(jnp.bfloat16),
                        preferred_element_type=jnp.float32)
            om = jnp.where(valid, o + b4_ref[...], 0.0)
            mx = jnp.max(om, axis=0, keepdims=True)
            out_ref[pl.ds(i, 1), :] = jnp.maximum(out_ref[pl.ds(i, 1), :], mx)
            return 0

        lax.fori_loop(0, nch, chunk, 0)


def kernel(x, mask, W1, b1, g1, be1, W2, b2, W3, b3, g2, be2, W4, b4):
    x_pad = jnp.pad(x.reshape(_N, _FEAT), ((0, 0), (0, _XPADW - _FEAT)))
    W1p = jnp.pad(W1, ((0, _XPADW - _FEAT), (0, 0)))
    mask_i32 = mask.reshape(_N).astype(jnp.int32)
    xc3, cnts = _sc_compact(x_pad, mask_i32)
    xc = xc3.reshape(_N, _XPADW)

    row_spec = pl.BlockSpec((_M, _XPADW),
                            lambda s, c: (jnp.minimum(s, _B - 1), 0))

    def full(a):
        return pl.BlockSpec(a.shape, lambda s, c: (0,) * a.ndim)

    b1r, g1r, be1r = b1.reshape(1, _H1), g1.reshape(1, _H1), be1.reshape(1, _H1)
    b2r = b2.reshape(1, _H2)
    b3r, g2r, be2r = b3.reshape(1, _H2), g2.reshape(1, _H2), be2.reshape(1, _H2)
    b4r = b4.reshape(1, _ENC)
    ops = (xc, W1p, b1r, g1r, be1r, W2, b2r, W3, b3r, g2r, be2r, W4, b4r)
    in_specs = [row_spec] + [full(a) for a in ops[1:]]

    grid_spec = pltpu.PrefetchScalarGridSpec(
        num_scalar_prefetch=1,
        grid=(_PHASES * _B,),
        in_specs=in_specs,
        out_specs=pl.BlockSpec((_B, _ENC), lambda s, c: (0, 0)),
        scratch_shapes=[
            pltpu.VMEM((_N, _H1), jnp.bfloat16),
            pltpu.VMEM((_N, _H2), jnp.bfloat16),
            pltpu.VMEM((_N, _H2), jnp.bfloat16),
            pltpu.VMEM((_B, _H2), jnp.float32),
            pltpu.VMEM((_B, _H2), jnp.float32),
            pltpu.VMEM((1, _H1), jnp.float32),
            pltpu.VMEM((1, _H1), jnp.float32),
            pltpu.VMEM((1, _H1), jnp.float32),
            pltpu.VMEM((1, _H1), jnp.float32),
            pltpu.VMEM((1, _H1), jnp.float32),
            pltpu.VMEM((1, _H2), jnp.float32),
            pltpu.VMEM((1, _H2), jnp.float32),
            pltpu.VMEM((1, _H2), jnp.float32),
            pltpu.VMEM((1, _H2), jnp.float32),
        ],
    )
    out = pl.pallas_call(
        _tc_body,
        grid_spec=grid_spec,
        out_shape=jax.ShapeDtypeStruct((_B, _ENC), jnp.float32),
        compiler_params=pltpu.CompilerParams(
            vmem_limit_bytes=100 * 1024 * 1024,
        ),
    )(cnts, *ops)
    return out

# --- scband reference (transcript-rebuilt; emitter-appended) ---
"""Pipeline reference for scband-points-encoder-72679436583288 (READ-ONLY COPY).

The authoritative reference and input builder live on the scoring server;
editing this copy changes nothing except your own understanding.
"""

import jax, jax.numpy as jnp
import numpy as np

B, M, FEAT, ENC = 16, 2048, 3, 256


def setup_inputs(seed: int = 0) -> dict:
    key = jax.random.key(seed)
    ks = jax.random.split(key, 16)
    x = jax.random.normal(ks[0], (B, M, FEAT), dtype=jnp.float32)
    mask = jax.random.randint(ks[1], (B, M), 0, 2).astype(bool)
    W1 = jax.random.normal(ks[2], (FEAT, 128), dtype=jnp.float32) * 0.05
    b1 = jnp.zeros((128,), dtype=jnp.float32)
    g1 = jnp.ones((128,), dtype=jnp.float32)
    be1 = jnp.zeros((128,), dtype=jnp.float32)
    W2 = jax.random.normal(ks[3], (128, 256), dtype=jnp.float32) * 0.05
    b2 = jnp.zeros((256,), dtype=jnp.float32)
    W3 = jax.random.normal(ks[4], (512, 256), dtype=jnp.float32) * 0.05
    b3 = jnp.zeros((256,), dtype=jnp.float32)
    g2 = jnp.ones((256,), dtype=jnp.float32)
    be2 = jnp.zeros((256,), dtype=jnp.float32)
    W4 = jax.random.normal(ks[5], (256, ENC), dtype=jnp.float32) * 0.05
    b4 = jnp.zeros((ENC,), dtype=jnp.float32)
    return {"x": x, "mask": mask, "W1": W1, "b1": b1, "g1": g1, "be1": be1,
            "W2": W2, "b2": b2, "W3": W3, "b3": b3, "g2": g2, "be2": be2,
            "W4": W4, "b4": b4}


def _bn(h, gamma, beta):
    # BatchNorm1d in training mode: batch stats over dim 0, biased variance, eps=1e-5
    mean = jnp.mean(h, axis=0)
    var = jnp.var(h, axis=0)
    return (h - mean) / jnp.sqrt(var + 1e-5) * gamma + beta


def _bn_masked(h, gamma, beta, m, cnt):
    # BatchNorm1d in training mode over only rows where m is true:
    # batch stats over dim 0, biased variance, eps=1e-5
    hm = jnp.where(m, h, 0.0)
    mean = jnp.sum(hm, axis=0) / cnt
    dev = jnp.where(m, h - mean, 0.0)
    var = jnp.sum(dev * dev, axis=0) / cnt
    return (h - mean) / jnp.sqrt(var + 1e-5) * gamma + beta


def reference(x, mask, W1, b1, g1, be1, W2, b2, W3, b3, g2, be2, W4, b4):
    bs, n, _ = x.shape
    x_flat = x.reshape(-1, x.shape[-1])
    mask_flat = mask.reshape(-1)
    m = mask_flat[:, None]
    cnt = jnp.sum(mask_flat.astype(x.dtype))
    # first_mlp: Linear(FEAT,128) -> BN -> ReLU -> Linear(128,256)
    h = x_flat @ W1 + b1
    h = _bn_masked(h, g1, be1, m, cnt)
    h = jnp.maximum(h, 0.0)
    h = h @ W2 + b2
    # scatter (overwrite) back to dense token grid
    x_features = jnp.where(m, h, jnp.zeros((), dtype=x.dtype))
    x_features = x_features.reshape(bs, n, 256)
    pooled = jnp.max(x_features, axis=1)
    cat = jnp.concatenate([x_features, jnp.broadcast_to(pooled[:, None, :], (bs, n, 256))], axis=-1)
    cat_flat = cat.reshape(-1, 512)
    # second_mlp: Linear(512,256) -> BN -> ReLU -> Linear(256,ENC)
    h2 = cat_flat @ W3 + b3
    h2 = _bn_masked(h2, g2, be2, m, cnt)
    h2 = jnp.maximum(h2, 0.0)
    h2 = h2 @ W4 + b4
    res = jnp.where(m, h2, jnp.zeros((), dtype=x.dtype))
    res = res.reshape(bs, n, W4.shape[1])
    res = jnp.max(res, axis=1)
    return res

if __name__ == "__main__":
    import jax
    _d = setup_inputs()
    print(jax.jit(kernel)(*tuple(_d.values())))

</pallas_src>

<mosaic_0001>
#map = affine_map<(d0, d1) -> (0, 0)>
#map1 = affine_map<(d0, d1) -> (0)>
#map2 = affine_map<(d0, d1) -> (0, 0, 0)>
module attributes {stable_mosaic.version = 14 : i64} {
  func.func @_sc_body(%arg0: i32, %arg1: i32, %arg2: memref<32768x16xf32, #tpu.memory_space<hbm>>, %arg3: memref<32768xi32, #tpu.memory_space<hbm>>, %arg4: memref<16x2048x16xf32, #tpu.memory_space<hbm>>, %arg5: memref<16x16xi32, #tpu.memory_space<hbm>>, %arg6: memref<2048xi32, #tpu.memory_space<vmem>>, %arg7: memref<2048xi32, #tpu.memory_space<vmem>>, %arg8: memref<2048x16xf32, #tpu.memory_space<vmem>>, %arg9: memref<16xi32, #tpu.memory_space<vmem>>, %arg10: memref<!tpu.dma_semaphore, #tpu.memory_space<semaphore_mem>>) attributes {dimension_semantics = [#tpu.dimension_semantics<core_parallel>, #tpu.dimension_semantics<subcore_parallel>], iteration_bounds = array<i64: 2, 16>, scalar_prefetch = 0 : i64, scratch_operands = 5 : i64, tpu.core_type = #tpu.core_type<sc_vector_subcore>, window_params = [{transform_indices = #map}, {transform_indices = #map1}, {transform_indices = #map2}, {transform_indices = #map}]} {
    %mul3A = arith.constant 2 : i32
    %mul3A_0 = arith.muli %arg1, %mul3A : i32
    %add3A = arith.addi %mul3A_0, %arg0 : i32
    %lt3A = arith.constant 16 : i32
    %lt3A_1 = arith.cmpi slt, %add3A, %lt3A : i32
    %convert_element_type3A = arith.extui %lt3A_1 : i1 to i32
    %cond3A = arith.constant 0 : i32
    %cond3A_2 = arith.cmpi ne, %convert_element_type3A, %cond3A : i32
    scf.if %cond3A_2 {
      %mul3A_3 = arith.constant 2048 : i32
      %mul3A_4 = arith.muli %add3A, %mul3A_3 : i32
      "tpu.region"() ({
        %run_scoped3A = tpu.sem_alloc : memref<!tpu.dma_semaphore, #tpu.memory_space<semaphore_mem>>
        %dma_start3A_31 = tpu.memref_slice %arg3[%mul3A_4] : memref<32768xi32, #tpu.memory_space<hbm>> -> memref<2048xi32, #tpu.memory_space<hbm>>
        %dma_start3A_32 = tpu.memref_slice %arg3[%mul3A_4] : memref<32768xi32, #tpu.memory_space<hbm>> -> memref<2048xi32, #tpu.memory_space<hbm>>
        tpu.enqueue_dma source(%dma_start3A_32 : memref<2048xi32, #tpu.memory_space<hbm>>) target(%arg6 : memref<2048xi32, #tpu.memory_space<vmem>>) target_semaphore(%run_scoped3A : memref<!tpu.dma_semaphore, #tpu.memory_space<semaphore_mem>>)
        %dma_wait3A_33 = tpu.memref_slice %arg3[%mul3A_4] : memref<32768xi32, #tpu.memory_space<hbm>> -> memref<2048xi32, #tpu.memory_space<hbm>>
        %dma_wait3A_34 = tpu.memref_slice %arg3[%mul3A_4] : memref<32768xi32, #tpu.memory_space<hbm>> -> memref<2048xi32, #tpu.memory_space<hbm>>
        tpu.wait_dma2 semaphore(%run_scoped3A : memref<!tpu.dma_semaphore, #tpu.memory_space<semaphore_mem>>) src(%dma_wait3A_34 : memref<2048xi32, #tpu.memory_space<hbm>>) dst(%arg6 : memref<2048xi32, #tpu.memory_space<vmem>>)
        tpu.yield
      }) : () -> ()
      %broadcast_in_dim3A = vector.broadcast %mul3A_4 : i32 to vector<16xi32>
      %scan3A = arith.constant 0 : i32
      %scan3A_5 = arith.constant 0 : i32
      %scan3A_6 = arith.constant 128 : i32
      %scan3A_7 = arith.addi %scan3A_5, %scan3A_6 : i32
      %scan3A_8 = arith.constant 1 : i32
      %scan3A_9 = scf.for %scan3A_31 = %scan3A_5 to %scan3A_7 step %scan3A_8 iter_args(%scan3A_32 = %scan3A) -> (i32)  : i32 {
        %mul3A_33 = arith.constant 16 : i32
        %mul3A_34 = arith.muli %scan3A_31, %mul3A_33 : i32
        %swap3A_35 = arith.index_cast %mul3A_34 : i32 to index
        %swap3A_36 = tpu.vector_load %arg7[%swap3A_35] {strides = array<i32>} : memref<2048xi32, #tpu.memory_space<vmem>>, vector<16xi32>,
        %swap3A_37 = vector.shape_cast %swap3A_36 : vector<16xi32> to vector<16xi32>
        %swap3A_38 = vector.shape_cast %broadcast_in_dim3A : vector<16xi32> to vector<16xi32>
        tpu.vector_store %arg7[%swap3A_35], %swap3A_38 {strides = array<i32>} : memref<2048xi32, #tpu.memory_space<vmem>>, vector<16xi32>,
        %scan3A_39 = arith.constant 0 : i32
        scf.yield %scan3A_39 : i32
      }
      %scan3A_10 = arith.constant 128 : i32
      %iota3A = tpu.iota {dimensions = array<i32: 0>} : vector<16xi32>
      %broadcast_in_dim3A_11 = vector.broadcast %mul3A_4 : i32 to vector<16xi32>
      %scan3A_12 = arith.constant 0 : i32
      %scan3A_13 = arith.constant 0 : i32
      %scan3A_14 = arith.constant 128 : i32
      %scan3A_15 = arith.addi %scan3A_13, %scan3A_14 : i32
      %scan3A_16 = arith.constant 1 : i32
      %scan3A_17:2 = scf.for %scan3A_31 = %scan3A_13 to %scan3A_15 step %scan3A_16 iter_args(%scan3A_32 = %scan3A_12, %scan3A_33 = %broadcast_in_dim3A_11) -> (i32, vector<16xi32>)  : i32 {
        %mul3A_34 = arith.constant 16 : i32
        %mul3A_35 = arith.muli %scan3A_31, %mul3A_34 : i32
        %get3A = arith.index_cast %mul3A_35 : i32 to index
        %get3A_36 = tpu.vector_load %arg6[%get3A] {strides = array<i32>} : memref<2048xi32, #tpu.memory_space<vmem>>, vector<16xi32>,
        %get3A_37 = vector.shape_cast %get3A_36 : vector<16xi32> to vector<16xi32>
        %sub3A = arith.constant 1 : i32
        %sub3A_38 = vector.broadcast %sub3A : i32 to vector<16xi32>
        %sub3A_39 = arith.subi %iota3A, %sub3A_38 : vector<16xi32>
        %max3A = arith.constant 0 : i32
        %max3A_40 = vector.broadcast %max3A : i32 to vector<16xi32>
        %max3A_41 = arith.maxsi %sub3A_39, %max3A_40 : vector<16xi32>
        %broadcast_in_dim3A_42 = vector.shape_cast %max3A_41 : vector<16xi32> to vector<16x1xi32>
        %gather3A = vector.shape_cast %broadcast_in_dim3A_42 : vector<16x1xi32> to vector<16xi32>
        %gather3A_43 = tpu.dynamic_gather %get3A_37[%gather3A] in [0] : vector<16xi32>, vector<16xi32> -> vector<16xi32>
        %sub3A_44 = arith.constant 0 : i32
        %sub3A_45 = vector.broadcast %sub3A_44 : i32 to vector<16xi32>
        %sub3A_46 = arith.subi %iota3A, %sub3A_45 : vector<16xi32>
        %max3A_47 = arith.constant 0 : i32
        %max3A_48 = vector.broadcast %max3A_47 : i32 to vector<16xi32>
        %max3A_49 = arith.maxsi %sub3A_46, %max3A_48 : vector<16xi32>
        %min3A = arith.constant 1 : i32
        %min3A_50 = vector.broadcast %min3A : i32 to vector<16xi32>
        %min3A_51 = arith.minsi %max3A_49, %min3A_50 : vector<16xi32>
        %mul3A_52 = arith.muli %gather3A_43, %min3A_51 : vector<16xi32>
        %add3A_53 = arith.addi %get3A_37, %mul3A_52 : vector<16xi32>
        %sub3A_54 = arith.constant 2 : i32
        %sub3A_55 = vector.broadcast %sub3A_54 : i32 to vector<16xi32>
        %sub3A_56 = arith.subi %iota3A, %sub3A_55 : vector<16xi32>
        %max3A_57 = arith.constant 0 : i32
        %max3A_58 = vector.broadcast %max3A_57 : i32 to vector<16xi32>
        %max3A_59 = arith.maxsi %sub3A_56, %max3A_58 : vector<16xi32>
        %broadcast_in_dim3A_60 = vector.shape_cast %max3A_59 : vector<16xi32> to vector<16x1xi32>
        %gather3A_61 = vector.shape_cast %broadcast_in_dim3A_60 : vector<16x1xi32> to vector<16xi32>
        %gather3A_62 = tpu.dynamic_gather %add3A_53[%gather3A_61] in [0] : vector<16xi32>, vector<16xi32> -> vector<16xi32>
        %sub3A_63 = arith.constant 1 : i32
        %sub3A_64 = vector.broadcast %sub3A_63 : i32 to vector<16xi32>
        %sub3A_65 = arith.subi %iota3A, %sub3A_64 : vector<16xi32>
        %max3A_66 = arith.constant 0 : i32
        %max3A_67 = vector.broadcast %max3A_66 : i32 to vector<16xi32>
        %max3A_68 = arith.maxsi %sub3A_65, %max3A_67 : vector<16xi32>
        %min3A_69 = arith.constant 1 : i32
        %min3A_70 = vector.broadcast %min3A_69 : i32 to vector<16xi32>
        %min3A_71 = arith.minsi %max3A_68, %min3A_70 : vector<16xi32>
        %mul3A_72 = arith.muli %gather3A_62, %min3A_71 : vector<16xi32>
        %add3A_73 = arith.addi %add3A_53, %mul3A_72 : vector<16xi32>
        %sub3A_74 = arith.constant 4 : i32
        %sub3A_75 = vector.broadcast %sub3A_74 : i32 to vector<16xi32>
        %sub3A_76 = arith.subi %iota3A, %sub3A_75 : vector<16xi32>
        %max3A_77 = arith.constant 0 : i32
        %max3A_78 = vector.broadcast %max3A_77 : i32 to vector<16xi32>
        %max3A_79 = arith.maxsi %sub3A_76, %max3A_78 : vector<16xi32>
        %broadcast_in_dim3A_80 = vector.shape_cast %max3A_79 : vector<16xi32> to vector<16x1xi32>
        %gather3A_81 = vector.shape_cast %broadcast_in_dim3A_80 : vector<16x1xi32> to vector<16xi32>
        %gather3A_82 = tpu.dynamic_gather %add3A_73[%gather3A_81] in [0] : vector<16xi32>, vector<16xi32> -> vector<16xi32>
        %sub3A_83 = arith.constant 3 : i32
        %sub3A_84 = vector.broadcast %sub3A_83 : i32 to vector<16xi32>
        %sub3A_85 = arith.subi %iota3A, %sub3A_84 : vector<16xi32>
        %max3A_86 = arith.constant 0 : i32
        %max3A_87 = vector.broadcast %max3A_86 : i32 to vector<16xi32>
        %max3A_88 = arith.maxsi %sub3A_85, %max3A_87 : vector<16xi32>
        %min3A_89 = arith.constant 1 : i32
        %min3A_90 = vector.broadcast %min3A_89 : i32 to vector<16xi32>
        %min3A_91 = arith.minsi %max3A_88, %min3A_90 : vector<16xi32>
        %mul3A_92 = arith.muli %gather3A_82, %min3A_91 : vector<16xi32>
        %add3A_93 = arith.addi %add3A_73, %mul3A_92 : vector<16xi32>
        %sub3A_94 = arith.constant 8 : i32
        %sub3A_95 = vector.broadcast %sub3A_94 : i32 to vector<16xi32>
        %sub3A_96 = arith.subi %iota3A, %sub3A_95 : vector<16xi32>
        %max3A_97 = arith.constant 0 : i32
        %max3A_98 = vector.broadcast %max3A_97 : i32 to vector<16xi32>
        %max3A_99 = arith.maxsi %sub3A_96, %max3A_98 : vector<16xi32>
        %broadcast_in_dim3A_100 = vector.shape_cast %max3A_99 : vector<16xi32> to vector<16x1xi32>
        %gather3A_101 = vector.shape_cast %broadcast_in_dim3A_100 : vector<16x1xi32> to vector<16xi32>
        %gather3A_102 = tpu.dynamic_gather %add3A_93[%gather3A_101] in [0] : vector<16xi32>, vector<16xi32> -> vector<16xi32>
        %sub3A_103 = arith.constant 7 : i32
        %sub3A_104 = vector.broadcast %sub3A_103 : i32 to vector<16xi32>
        %sub3A_105 = arith.subi %iota3A, %sub3A_104 : vector<16xi32>
        %max3A_106 = arith.constant 0 : i32
        %max3A_107 = vector.broadcast %max3A_106 : i32 to vector<16xi32>
        %max3A_108 = arith.maxsi %sub3A_105, %max3A_107 : vector<16xi32>
        %min3A_109 = arith.constant 1 : i32
        %min3A_110 = vector.broadcast %min3A_109 : i32 to vector<16xi32>
        %min3A_111 = arith.minsi %max3A_108, %min3A_110 : vector<16xi32>
        %mul3A_112 = arith.muli %gather3A_102, %min3A_111 : vector<16xi32>
        %add3A_113 = arith.addi %add3A_93, %mul3A_112 : vector<16xi32>
        %sub3A_114 = arith.constant 1 : i32
        %sub3A_115 = vector.broadcast %sub3A_114 : i32 to vector<16xi32>
        %sub3A_116 = arith.subi %add3A_113, %sub3A_115 : vector<16xi32>
        %mul3A_117 = arith.constant 16 : i32
        %mul3A_118 = arith.muli %scan3A_31, %mul3A_117 : i32
        %add3A_119 = arith.addi %mul3A_4, %mul3A_118 : i32
        %add3A_120 = vector.broadcast %add3A_119 : i32 to vector<16xi32>
        %add3A_121 = arith.addi %add3A_120, %iota3A : vector<16xi32>
        %slice3A = vector.extract_strided_slice %sub3A_116 {offsets = [0], sizes = [1], strides = [1]} : vector<16xi32> to vector<1xi32>
        %squeeze3A = vector.extract %slice3A[0] : i32 from vector<1xi32>
        %sub3A_122 = vector.broadcast %squeeze3A : i32 to vector<16xi32>
        %sub3A_123 = arith.subi %iota3A, %sub3A_122 : vector<16xi32>
        %abs3A = math.absi %sub3A_123 : vector<16xi32>
        %min3A_124 = arith.constant 1 : i32
        %min3A_125 = vector.broadcast %min3A_124 : i32 to vector<16xi32>
        %min3A_126 = arith.minsi %abs3A, %min3A_125 : vector<16xi32>
        %sub3A_127 = arith.constant 1 : i32
        %sub3A_128 = vector.broadcast %sub3A_127 : i32 to vector<16xi32>
        %sub3A_129 = arith.subi %sub3A_128, %min3A_126 : vector<16xi32>
        %slice3A_130 = vector.extract_strided_slice %get3A_37 {offsets = [0], sizes = [1], strides = [1]} : vector<16xi32> to vector<1xi32>
        %squeeze3A_131 = vector.extract %slice3A_130[0] : i32 from vector<1xi32>
        %mul3A_132 = vector.broadcast %squeeze3A_131 : i32 to vector<16xi32>
        %mul3A_133 = arith.muli %sub3A_129, %mul3A_132 : vector<16xi32>
        %slice3A_134 = vector.extract_strided_slice %add3A_121 {offsets = [0], sizes = [1], strides = [1]} : vector<16xi32> to vector<1xi32>
        %squeeze3A_135 = vector.extract %slice3A_134[0] : i32 from vector<1xi32>
        %sub3A_136 = vector.broadcast %squeeze3A_135 : i32 to vector<16xi32>
        %sub3A_137 = arith.subi %sub3A_136, %scan3A_33 : vector<16xi32>
        %mul3A_138 = arith.muli %sub3A_137, %mul3A_133 : vector<16xi32>
        %add3A_139 = arith.addi %scan3A_33, %mul3A_138 : vector<16xi32>
        %slice3A_140 = vector.extract_strided_slice %sub3A_116 {offsets = [1], sizes = [1], strides = [1]} : vector<16xi32> to vector<1xi32>
        %squeeze3A_141 = vector.extract %slice3A_140[0] : i32 from vector<1xi32>
        %sub3A_142 = vector.broadcast %squeeze3A_141 : i32 to vector<16xi32>
        %sub3A_143 = arith.subi %iota3A, %sub3A_142 : vector<16xi32>
        %abs3A_144 = math.absi %sub3A_143 : vector<16xi32>
        %min3A_145 = arith.constant 1 : i32
        %min3A_146 = vector.broadcast %min3A_145 : i32 to vector<16xi32>
        %min3A_147 = arith.minsi %abs3A_144, %min3A_146 : vector<16xi32>
        %sub3A_148 = arith.constant 1 : i32
        %sub3A_149 = vector.broadcast %sub3A_148 : i32 to vector<16xi32>
        %sub3A_150 = arith.subi %sub3A_149, %min3A_147 : vector<16xi32>
        %slice3A_151 = vector.extract_strided_slice %get3A_37 {offsets = [1], sizes = [1], strides = [1]} : vector<16xi32> to vector<1xi32>
        %squeeze3A_152 = vector.extract %slice3A_151[0] : i32 from vector<1xi32>
        %mul3A_153 = vector.broadcast %squeeze3A_152 : i32 to vector<16xi32>
        %mul3A_154 = arith.muli %sub3A_150, %mul3A_153 : vector<16xi32>
        %slice3A_155 = vector.extract_strided_slice %add3A_121 {offsets = [1], sizes = [1], strides = [1]} : vector<16xi32> to vector<1xi32>
        %squeeze3A_156 = vector.extract %slice3A_155[0] : i32 from vector<1xi32>
        %sub3A_157 = vector.broadcast %squeeze3A_156 : i32 to vector<16xi32>
        %sub3A_158 = arith.subi %sub3A_157, %add3A_139 : vector<16xi32>
        %mul3A_159 = arith.muli %sub3A_158, %mul3A_154 : vector<16xi32>
        %add3A_160 = arith.addi %add3A_139, %mul3A_159 : vector<16xi32>
        %slice3A_161 = vector.extract_strided_slice %sub3A_116 {offsets = [2], sizes = [1], strides = [1]} : vector<16xi32> to vector<1xi32>
        %squeeze3A_162 = vector.extract %slice3A_161[0] : i32 from vector<1xi32>
        %sub3A_163 = vector.broadcast %squeeze3A_162 : i32 to vector<16xi32>
        %sub3A_164 = arith.subi %iota3A, %sub3A_163 : vector<16xi32>
        %abs3A_165 = math.absi %sub3A_164 : vector<16xi32>
        %min3A_166 = arith.constant 1 : i32
        %min3A_167 = vector.broadcast %min3A_166 : i32 to vector<16xi32>
        %min3A_168 = arith.minsi %abs3A_165, %min3A_167 : vector<16xi32>
        %sub3A_169 = arith.constant 1 : i32
        %sub3A_170 = vector.broadcast %sub3A_169 : i32 to vector<16xi32>
        %sub3A_171 = arith.subi %sub3A_170, %min3A_168 : vector<16xi32>
        %slice3A_172 = vector.extract_strided_slice %get3A_37 {offsets = [2], sizes = [1], strides = [1]} : vector<16xi32> to vector<1xi32>
        %squeeze3A_173 = vector.extract %slice3A_172[0] : i32 from vector<1xi32>
        %mul3A_174 = vector.broadcast %squeeze3A_173 : i32 to vector<16xi32>
        %mul3A_175 = arith.muli %sub3A_171, %mul3A_174 : vector<16xi32>
        %slice3A_176 = vector.extract_strided_slice %add3A_121 {offsets = [2], sizes = [1], strides = [1]} : vector<16xi32> to vector<1xi32>
        %squeeze3A_177 = vector.extract %slice3A_176[0] : i32 from vector<1xi32>
        %sub3A_178 = vector.broadcast %squeeze3A_177 : i32 to vector<16xi32>
        %sub3A_179 = arith.subi %sub3A_178, %add3A_160 : vector<16xi32>
        %mul3A_180 = arith.muli %sub3A_179, %mul3A_175 : vector<16xi32>
        %add3A_181 = arith.addi %add3A_160, %mul3A_180 : vector<16xi32>
        %slice3A_182 = vector.extract_strided_slice %sub3A_116 {offsets = [3], sizes = [1], strides = [1]} : vector<16xi32> to vector<1xi32>
        %squeeze3A_183 = vector.extract %slice3A_182[0] : i32 from vector<1xi32>
        %sub3A_184 = vector.broadcast %squeeze3A_183 : i32 to vector<16xi32>
        %sub3A_185 = arith.subi %iota3A, %sub3A_184 : vector<16xi32>
        %abs3A_186 = math.absi %sub3A_185 : vector<16xi32>
        %min3A_187 = arith.constant 1 : i32
        %min3A_188 = vector.broadcast %min3A_187 : i32 to vector<16xi32>
        %min3A_189 = arith.minsi %abs3A_186, %min3A_188 : vector<16xi32>
        %sub3A_190 = arith.constant 1 : i32
        %sub3A_191 = vector.broadcast %sub3A_190 : i32 to vector<16xi32>
        %sub3A_192 = arith.subi %sub3A_191, %min3A_189 : vector<16xi32>
        %slice3A_193 = vector.extract_strided_slice %get3A_37 {offsets = [3], sizes = [1], strides = [1]} : vector<16xi32> to vector<1xi32>
        %squeeze3A_194 = vector.extract %slice3A_193[0] : i32 from vector<1xi32>
        %mul3A_195 = vector.broadcast %squeeze3A_194 : i32 to vector<16xi32>
        %mul3A_196 = arith.muli %sub3A_192, %mul3A_195 : vector<16xi32>
        %slice3A_197 = vector.extract_strided_slice %add3A_121 {offsets = [3], sizes = [1], strides = [1]} : vector<16xi32> to vector<1xi32>
        %squeeze3A_198 = vector.extract %slice3A_197[0] : i32 from vector<1xi32>
        %sub3A_199 = vector.broadcast %squeeze3A_198 : i32 to vector<16xi32>
        %sub3A_200 = arith.subi %sub3A_199, %add3A_181 : vector<16xi32>
        %mul3A_201 = arith.muli %sub3A_200, %mul3A_196 : vector<16xi32>
        %add3A_202 = arith.addi %add3A_181, %mul3A_201 : vector<16xi32>
        %slice3A_203 = vector.extract_strided_slice %sub3A_116 {offsets = [4], sizes = [1], strides = [1]} : vector<16xi32> to vector<1xi32>
        %squeeze3A_204 = vector.extract %slice3A_203[0] : i32 from vector<1xi32>
        %sub3A_205 = vector.broadcast %squeeze3A_204 : i32 to vector<16xi32>
        %sub3A_206 = arith.subi %iota3A, %sub3A_205 : vector<16xi32>
        %abs3A_207 = math.absi %sub3A_206 : vector<16xi32>
        %min3A_208 = arith.constant 1 : i32
        %min3A_209 = vector.broadcast %min3A_208 : i32 to vector<16xi32>
        %min3A_210 = arith.minsi %abs3A_207, %min3A_209 : vector<16xi32>
        %sub3A_211 = arith.constant 1 : i32
        %sub3A_212 = vector.broadcast %sub3A_211 : i32 to vector<16xi32>
        %sub3A_213 = arith.subi %sub3A_212, %min3A_210 : vector<16xi32>
        %slice3A_214 = vector.extract_strided_slice %get3A_37 {offsets = [4], sizes = [1], strides = [1]} : vector<16xi32> to vector<1xi32>
        %squeeze3A_215 = vector.extract %slice3A_214[0] : i32 from vector<1xi32>
        %mul3A_216 = vector.broadcast %squeeze3A_215 : i32 to vector<16xi32>
        %mul3A_217 = arith.muli %sub3A_213, %mul3A_216 : vector<16xi32>
        %slice3A_218 = vector.extract_strided_slice %add3A_121 {offsets = [4], sizes = [1], strides = [1]} : vector<16xi32> to vector<1xi32>
        %squeeze3A_219 = vector.extract %slice3A_218[0] : i32 from vector<1xi32>
        %sub3A_220 = vector.broadcast %squeeze3A_219 : i32 to vector<16xi32>
        %sub3A_221 = arith.subi %sub3A_220, %add3A_202 : vector<16xi32>
        %mul3A_222 = arith.muli %sub3A_221, %mul3A_217 : vector<16xi32>
        %add3A_223 = arith.addi %add3A_202, %mul3A_222 : vector<16xi32>
        %slice3A_224 = vector.extract_strided_slice %sub3A_116 {offsets = [5], sizes = [1], strides = [1]} : vector<16xi32> to vector<1xi32>
        %squeeze3A_225 = vector.extract %slice3A_224[0] : i32 from vector<1xi32>
        %sub3A_226 = vector.broadcast %squeeze3A_225 : i32 to vector<16xi32>
        %sub3A_227 = arith.subi %iota3A, %sub3A_226 : vector<16xi32>
        %abs3A_228 = math.absi %sub3A_227 : vector<16xi32>
        %min3A_229 = arith.constant 1 : i32
        %min3A_230 = vector.broadcast %min3A_229 : i32 to vector<16xi32>
        %min3A_231 = arith.minsi %abs3A_228, %min3A_230 : vector<16xi32>
        %sub3A_232 = arith.constant 1 : i32
        %sub3A_233 = vector.broadcast %sub3A_232 : i32 to vector<16xi32>
        %sub3A_234 = arith.subi %sub3A_233, %min3A_231 : vector<16xi32>
        %slice3A_235 = vector.extract_strided_slice %get3A_37 {offsets = [5], sizes = [1], strides = [1]} : vector<16xi32> to vector<1xi32>
        %squeeze3A_236 = vector.extract %slice3A_235[0] : i32 from vector<1xi32>
        %mul3A_237 = vector.broadcast %squeeze3A_236 : i32 to vector<16xi32>
        %mul3A_238 = arith.muli %sub3A_234, %mul3A_237 : vector<16xi32>
        %slice3A_239 = vector.extract_strided_slice %add3A_121 {offsets = [5], sizes = [1], strides = [1]} : vector<16xi32> to vector<1xi32>
        %squeeze3A_240 = vector.extract %slice3A_239[0] : i32 from vector<1xi32>
        %sub3A_241 = vector.broadcast %squeeze3A_240 : i32 to vector<16xi32>
        %sub3A_242 = arith.subi %sub3A_241, %add3A_223 : vector<16xi32>
        %mul3A_243 = arith.muli %sub3A_242, %mul3A_238 : vector<16xi32>
        %add3A_244 = arith.addi %add3A_223, %mul3A_243 : vector<16xi32>
        %slice3A_245 = vector.extract_strided_slice %sub3A_116 {offsets = [6], sizes = [1], strides = [1]} : vector<16xi32> to vector<1xi32>
        %squeeze3A_246 = vector.extract %slice3A_245[0] : i32 from vector<1xi32>
        %sub3A_247 = vector.broadcast %squeeze3A_246 : i32 to vector<16xi32>
        %sub3A_248 = arith.subi %iota3A, %sub3A_247 : vector<16xi32>
        %abs3A_249 = math.absi %sub3A_248 : vector<16xi32>
        %min3A_250 = arith.constant 1 : i32
        %min3A_251 = vector.broadcast %min3A_250 : i32 to vector<16xi32>
        %min3A_252 = arith.minsi %abs3A_249, %min3A_251 : vector<16xi32>
        %sub3A_253 = arith.constant 1 : i32
        %sub3A_254 = vector.broadcast %sub3A_253 : i32 to vector<16xi32>
        %sub3A_255 = arith.subi %sub3A_254, %min3A_252 : vector<16xi32>
        %slice3A_256 = vector.extract_strided_slice %get3A_37 {offsets = [6], sizes = [1], strides = [1]} : vector<16xi32> to vector<1xi32>
        %squeeze3A_257 = vector.extract %slice3A_256[0] : i32 from vector<1xi32>
        %mul3A_258 = vector.broadcast %squeeze3A_257 : i32 to vector<16xi32>
        %mul3A_259 = arith.muli %sub3A_255, %mul3A_258 : vector<16xi32>
        %slice3A_260 = vector.extract_strided_slice %add3A_121 {offsets = [6], sizes = [1], strides = [1]} : vector<16xi32> to vector<1xi32>
        %squeeze3A_261 = vector.extract %slice3A_260[0] : i32 from vector<1xi32>
        %sub3A_262 = vector.broadcast %squeeze3A_261 : i32 to vector<16xi32>
        %sub3A_263 = arith.subi %sub3A_262, %add3A_244 : vector<16xi32>
        %mul3A_264 = arith.muli %sub3A_263, %mul3A_259 : vector<16xi32>
        %add3A_265 = arith.addi %add3A_244, %mul3A_264 : vector<16xi32>
        %slice3A_266 = vector.extract_strided_slice %sub3A_116 {offsets = [7], sizes = [1], strides = [1]} : vector<16xi32> to vector<1xi32>
        %squeeze3A_267 = vector.extract %slice3A_266[0] : i32 from vector<1xi32>
        %sub3A_268 = vector.broadcast %squeeze3A_267 : i32 to vector<16xi32>
        %sub3A_269 = arith.subi %iota3A, %sub3A_268 : vector<16xi32>
        %abs3A_270 = math.absi %sub3A_269 : vector<16xi32>
        %min3A_271 = arith.constant 1 : i32
        %min3A_272 = vector.broadcast %min3A_271 : i32 to vector<16xi32>
        %min3A_273 = arith.minsi %abs3A_270, %min3A_272 : vector<16xi32>
        %sub3A_274 = arith.constant 1 : i32
        %sub3A_275 = vector.broadcast %sub3A_274 : i32 to vector<16xi32>
        %sub3A_276 = arith.subi %sub3A_275, %min3A_273 : vector<16xi32>
        %slice3A_277 = vector.extract_strided_slice %get3A_37 {offsets = [7], sizes = [1], strides = [1]} : vector<16xi32> to vector<1xi32>
        %squeeze3A_278 = vector.extract %slice3A_277[0] : i32 from vector<1xi32>
        %mul3A_279 = vector.broadcast %squeeze3A_278 : i32 to vector<16xi32>
        %mul3A_280 = arith.muli %sub3A_276, %mul3A_279 : vector<16xi32>
        %slice3A_281 = vector.extract_strided_slice %add3A_121 {offsets = [7], sizes = [1], strides = [1]} : vector<16xi32> to vector<1xi32>
        %squeeze3A_282 = vector.extract %slice3A_281[0] : i32 from vector<1xi32>
        %sub3A_283 = vector.broadcast %squeeze3A_282 : i32 to vector<16xi32>
        %sub3A_284 = arith.subi %sub3A_283, %add3A_265 : vector<16xi32>
        %mul3A_285 = arith.muli %sub3A_284, %mul3A_280 : vector<16xi32>
        %add3A_286 = arith.addi %add3A_265, %mul3A_285 : vector<16xi32>
        %slice3A_287 = vector.extract_strided_slice %sub3A_116 {offsets = [8], sizes = [1], strides = [1]} : vector<16xi32> to vector<1xi32>
        %squeeze3A_288 = vector.extract %slice3A_287[0] : i32 from vector<1xi32>
        %sub3A_289 = vector.broadcast %squeeze3A_288 : i32 to vector<16xi32>
        %sub3A_290 = arith.subi %iota3A, %sub3A_289 : vector<16xi32>
        %abs3A_291 = math.absi %sub3A_290 : vector<16xi32>
        %min3A_292 = arith.constant 1 : i32
        %min3A_293 = vector.broadcast %min3A_292 : i32 to vector<16xi32>
        %min3A_294 = arith.minsi %abs3A_291, %min3A_293 : vector<16xi32>
        %sub3A_295 = arith.constant 1 : i32
        %sub3A_296 = vector.broadcast %sub3A_295 : i32 to vector<16xi32>
        %sub3A_297 = arith.subi %sub3A_296, %min3A_294 : vector<16xi32>
        %slice3A_298 = vector.extract_strided_slice %get3A_37 {offsets = [8], sizes = [1], strides = [1]} : vector<16xi32> to vector<1xi32>
        %squeeze3A_299 = vector.extract %slice3A_298[0] : i32 from vector<1xi32>
        %mul3A_300 = vector.broadcast %squeeze3A_299 : i32 to vector<16xi32>
        %mul3A_301 = arith.muli %sub3A_297, %mul3A_300 : vector<16xi32>
        %slice3A_302 = vector.extract_strided_slice %add3A_121 {offsets = [8], sizes = [1], strides = [1]} : vector<16xi32> to vector<1xi32>
        %squeeze3A_303 = vector.extract %slice3A_302[0] : i32 from vector<1xi32>
        %sub3A_304 = vector.broadcast %squeeze3A_303 : i32 to vector<16xi32>
        %sub3A_305 = arith.subi %sub3A_304, %add3A_286 : vector<16xi32>
        %mul3A_306 = arith.muli %sub3A_305, %mul3A_301 : vector<16xi32>
        %add3A_307 = arith.addi %add3A_286, %mul3A_306 : vector<16xi32>
        %slice3A_308 = vector.extract_strided_slice %sub3A_116 {offsets = [9], sizes = [1], strides = [1]} : vector<16xi32> to vector<1xi32>
        %squeeze3A_309 = vector.extract %slice3A_308[0] : i32 from vector<1xi32>
        %sub3A_310 = vector.broadcast %squeeze3A_309 : i32 to vector<16xi32>
        %sub3A_311 = arith.subi %iota3A, %sub3A_310 : vector<16xi32>
        %abs3A_312 = math.absi %sub3A_311 : vector<16xi32>
        %min3A_313 = arith.constant 1 : i32
        %min3A_314 = vector.broadcast %min3A_313 : i32 to vector<16xi32>
        %min3A_315 = arith.minsi %abs3A_312, %min3A_314 : vector<16xi32>
        %sub3A_316 = arith.constant 1 : i32
        %sub3A_317 = vector.broadcast %sub3A_316 : i32 to vector<16xi32>
        %sub3A_318 = arith.subi %sub3A_317, %min3A_315 : vector<16xi32>
        %slice3A_319 = vector.extract_strided_slice %get3A_37 {offsets = [9], sizes = [1], strides = [1]} : vector<16xi32> to vector<1xi32>
        %squeeze3A_320 = vector.extract %slice3A_319[0] : i32 from vector<1xi32>
        %mul3A_321 = vector.broadcast %squeeze3A_320 : i32 to vector<16xi32>
        %mul3A_322 = arith.muli %sub3A_318, %mul3A_321 : vector<16xi32>
        %slice3A_323 = vector.extract_strided_slice %add3A_121 {offsets = [9], sizes = [1], strides = [1]} : vector<16xi32> to vector<1xi32>
        %squeeze3A_324 = vector.extract %slice3A_323[0] : i32 from vector<1xi32>
        %sub3A_325 = vector.broadcast %squeeze3A_324 : i32 to vector<16xi32>
        %sub3A_326 = arith.subi %sub3A_325, %add3A_307 : vector<16xi32>
        %mul3A_327 = arith.muli %sub3A_326, %mul3A_322 : vector<16xi32>
        %add3A_328 = arith.addi %add3A_307, %mul3A_327 : vector<16xi32>
        %slice3A_329 = vector.extract_strided_slice %sub3A_116 {offsets = [10], sizes = [1], strides = [1]} : vector<16xi32> to vector<1xi32>
        %squeeze3A_330 = vector.extract %slice3A_329[0] : i32 from vector<1xi32>
        %sub3A_331 = vector.broadcast %squeeze3A_330 : i32 to vector<16xi32>
        %sub3A_332 = arith.subi %iota3A, %sub3A_331 : vector<16xi32>
        %abs3A_333 = math.absi %sub3A_332 : vector<16xi32>
        %min3A_334 = arith.constant 1 : i32
        %min3A_335 = vector.broadcast %min3A_334 : i32 to vector<16xi32>
        %min3A_336 = arith.minsi %abs3A_333, %min3A_335 : vector<16xi32>
        %sub3A_337 = arith.constant 1 : i32
        %sub3A_338 = vector.broadcast %sub3A_337 : i32 to vector<16xi32>
        %sub3A_339 = arith.subi %sub3A_338, %min3A_336 : vector<16xi32>
        %slice3A_340 = vector.extract_strided_slice %get3A_37 {offsets = [10], sizes = [1], strides = [1]} : vector<16xi32> to vector<1xi32>
        %squeeze3A_341 = vector.extract %slice3A_340[0] : i32 from vector<1xi32>
        %mul3A_342 = vector.broadcast %squeeze3A_341 : i32 to vector<16xi32>
        %mul3A_343 = arith.muli %sub3A_339, %mul3A_342 : vector<16xi32>
        %slice3A_344 = vector.extract_strided_slice %add3A_121 {offsets = [10], sizes = [1], strides = [1]} : vector<16xi32> to vector<1xi32>
        %squeeze3A_345 = vector.extract %slice3A_344[0] : i32 from vector<1xi32>
        %sub3A_346 = vector.broadcast %squeeze3A_345 : i32 to vector<16xi32>
        %sub3A_347 = arith.subi %sub3A_346, %add3A_328 : vector<16xi32>
        %mul3A_348 = arith.muli %sub3A_347, %mul3A_343 : vector<16xi32>
        %add3A_349 = arith.addi %add3A_328, %mul3A_348 : vector<16xi32>
        %slice3A_350 = vector.extract_strided_slice %sub3A_116 {offsets = [11], sizes = [1], strides = [1]} : vector<16xi32> to vector<1xi32>
        %squeeze3A_351 = vector.extract %slice3A_350[0] : i32 from vector<1xi32>
        %sub3A_352 = vector.broadcast %squeeze3A_351 : i32 to vector<16xi32>
        %sub3A_353 = arith.subi %iota3A, %sub3A_352 : vector<16xi32>
        %abs3A_354 = math.absi %sub3A_353 : vector<16xi32>
        %min3A_355 = arith.constant 1 : i32
        %min3A_356 = vector.broadcast %min3A_355 : i32 to vector<16xi32>
        %min3A_357 = arith.minsi %abs3A_354, %min3A_356 : vector<16xi32>
        %sub3A_358 = arith.constant 1 : i32
        %sub3A_359 = vector.broadcast %sub3A_358 : i32 to vector<16xi32>
        %sub3A_360 = arith.subi %sub3A_359, %min3A_357 : vector<16xi32>
        %slice3A_361 = vector.extract_strided_slice %get3A_37 {offsets = [11], sizes = [1], strides = [1]} : vector<16xi32> to vector<1xi32>
        %squeeze3A_362 = vector.extract %slice3A_361[0] : i32 from vector<1xi32>
        %mul3A_363 = vector.broadcast %squeeze3A_362 : i32 to vector<16xi32>
        %mul3A_364 = arith.muli %sub3A_360, %mul3A_363 : vector<16xi32>
        %slice3A_365 = vector.extract_strided_slice %add3A_121 {offsets = [11], sizes = [1], strides = [1]} : vector<16xi32> to vector<1xi32>
        %squeeze3A_366 = vector.extract %slice3A_365[0] : i32 from vector<1xi32>
        %sub3A_367 = vector.broadcast %squeeze3A_366 : i32 to vector<16xi32>
        %sub3A_368 = arith.subi %sub3A_367, %add3A_349 : vector<16xi32>
        %mul3A_369 = arith.muli %sub3A_368, %mul3A_364 : vector<16xi32>
        %add3A_370 = arith.addi %add3A_349, %mul3A_369 : vector<16xi32>
        %slice3A_371 = vector.extract_strided_slice %sub3A_116 {offsets = [12], sizes = [1], strides = [1]} : vector<16xi32> to vector<1xi32>
        %squeeze3A_372 = vector.extract %slice3A_371[0] : i32 from vector<1xi32>
        %sub3A_373 = vector.broadcast %squeeze3A_372 : i32 to vector<16xi32>
        %sub3A_374 = arith.subi %iota3A, %sub3A_373 : vector<16xi32>
        %abs3A_375 = math.absi %sub3A_374 : vector<16xi32>
        %min3A_376 = arith.constant 1 : i32
        %min3A_377 = vector.broadcast %min3A_376 : i32 to vector<16xi32>
        %min3A_378 = arith.minsi %abs3A_375, %min3A_377 : vector<16xi32>
        %sub3A_379 = arith.constant 1 : i32
        %sub3A_380 = vector.broadcast %sub3A_379 : i32 to vector<16xi32>
        %sub3A_381 = arith.subi %sub3A_380, %min3A_378 : vector<16xi32>
        %slice3A_382 = vector.extract_strided_slice %get3A_37 {offsets = [12], sizes = [1], strides = [1]} : vector<16xi32> to vector<1xi32>
        %squeeze3A_383 = vector.extract %slice3A_382[0] : i32 from vector<1xi32>
        %mul3A_384 = vector.broadcast %squeeze3A_383 : i32 to vector<16xi32>
        %mul3A_385 = arith.muli %sub3A_381, %mul3A_384 : vector<16xi32>
        %slice3A_386 = vector.extract_strided_slice %add3A_121 {offsets = [12], sizes = [1], strides = [1]} : vector<16xi32> to vector<1xi32>
        %squeeze3A_387 = vector.extract %slice3A_386[0] : i32 from vector<1xi32>
        %sub3A_388 = vector.broadcast %squeeze3A_387 : i32 to vector<16xi32>
        %sub3A_389 = arith.subi %sub3A_388, %add3A_370 : vector<16xi32>
        %mul3A_390 = arith.muli %sub3A_389, %mul3A_385 : vector<16xi32>
        %add3A_391 = arith.addi %add3A_370, %mul3A_390 : vector<16xi32>
        %slice3A_392 = vector.extract_strided_slice %sub3A_116 {offsets = [13], sizes = [1], strides = [1]} : vector<16xi32> to vector<1xi32>
        %squeeze3A_393 = vector.extract %slice3A_392[0] : i32 from vector<1xi32>
        %sub3A_394 = vector.broadcast %squeeze3A_393 : i32 to vector<16xi32>
        %sub3A_395 = arith.subi %iota3A, %sub3A_394 : vector<16xi32>
        %abs3A_396 = math.absi %sub3A_395 : vector<16xi32>
        %min3A_397 = arith.constant 1 : i32
        %min3A_398 = vector.broadcast %min3A_397 : i32 to vector<16xi32>
        %min3A_399 = arith.minsi %abs3A_396, %min3A_398 : vector<16xi32>
        %sub3A_400 = arith.constant 1 : i32
        %sub3A_401 = vector.broadcast %sub3A_400 : i32 to vector<16xi32>
        %sub3A_402 = arith.subi %sub3A_401, %min3A_399 : vector<16xi32>
        %slice3A_403 = vector.extract_strided_slice %get3A_37 {offsets = [13], sizes = [1], strides = [1]} : vector<16xi32> to vector<1xi32>
        %squeeze3A_404 = vector.extract %slice3A_403[0] : i32 from vector<1xi32>
        %mul3A_405 = vector.broadcast %squeeze3A_404 : i32 to vector<16xi32>
        %mul3A_406 = arith.muli %sub3A_402, %mul3A_405 : vector<16xi32>
        %slice3A_407 = vector.extract_strided_slice %add3A_121 {offsets = [13], sizes = [1], strides = [1]} : vector<16xi32> to vector<1xi32>
        %squeeze3A_408 = vector.extract %slice3A_407[0] : i32 from vector<1xi32>
        %sub3A_409 = vector.broadcast %squeeze3A_408 : i32 to vector<16xi32>
        %sub3A_410 = arith.subi %sub3A_409, %add3A_391 : vector<16xi32>
        %mul3A_411 = arith.muli %sub3A_410, %mul3A_406 : vector<16xi32>
        %add3A_412 = arith.addi %add3A_391, %mul3A_411 : vector<16xi32>
        %slice3A_413 = vector.extract_strided_slice %sub3A_116 {offsets = [14], sizes = [1], strides = [1]} : vector<16xi32> to vector<1xi32>
        %squeeze3A_414 = vector.extract %slice3A_413[0] : i32 from vector<1xi32>
        %sub3A_415 = vector.broadcast %squeeze3A_414 : i32 to vector<16xi32>
        %sub3A_416 = arith.subi %iota3A, %sub3A_415 : vector<16xi32>
        %abs3A_417 = math.absi %sub3A_416 : vector<16xi32>
        %min3A_418 = arith.constant 1 : i32
        %min3A_419 = vector.broadcast %min3A_418 : i32 to vector<16xi32>
        %min3A_420 = arith.minsi %abs3A_417, %min3A_419 : vector<16xi32>
        %sub3A_421 = arith.constant 1 : i32
        %sub3A_422 = vector.broadcast %sub3A_421 : i32 to vector<16xi32>
        %sub3A_423 = arith.subi %sub3A_422, %min3A_420 : vector<16xi32>
        %slice3A_424 = vector.extract_strided_slice %get3A_37 {offsets = [14], sizes = [1], strides = [1]} : vector<16xi32> to vector<1xi32>
        %squeeze3A_425 = vector.extract %slice3A_424[0] : i32 from vector<1xi32>
        %mul3A_426 = vector.broadcast %squeeze3A_425 : i32 to vector<16xi32>
        %mul3A_427 = arith.muli %sub3A_423, %mul3A_426 : vector<16xi32>
        %slice3A_428 = vector.extract_strided_slice %add3A_121 {offsets = [14], sizes = [1], strides = [1]} : vector<16xi32> to vector<1xi32>
        %squeeze3A_429 = vector.extract %slice3A_428[0] : i32 from vector<1xi32>
        %sub3A_430 = vector.broadcast %squeeze3A_429 : i32 to vector<16xi32>
        %sub3A_431 = arith.subi %sub3A_430, %add3A_412 : vector<16xi32>
        %mul3A_432 = arith.muli %sub3A_431, %mul3A_427 : vector<16xi32>
        %add3A_433 = arith.addi %add3A_412, %mul3A_432 : vector<16xi32>
        %slice3A_434 = vector.extract_strided_slice %sub3A_116 {offsets = [15], sizes = [1], strides = [1]} : vector<16xi32> to vector<1xi32>
        %squeeze3A_435 = vector.extract %slice3A_434[0] : i32 from vector<1xi32>
        %sub3A_436 = vector.broadcast %squeeze3A_435 : i32 to vector<16xi32>
        %sub3A_437 = arith.subi %iota3A, %sub3A_436 : vector<16xi32>
        %abs3A_438 = math.absi %sub3A_437 : vector<16xi32>
        %min3A_439 = arith.constant 1 : i32
        %min3A_440 = vector.broadcast %min3A_439 : i32 to vector<16xi32>
        %min3A_441 = arith.minsi %abs3A_438, %min3A_440 : vector<16xi32>
        %sub3A_442 = arith.constant 1 : i32
        %sub3A_443 = vector.broadcast %sub3A_442 : i32 to vector<16xi32>
        %sub3A_444 = arith.subi %sub3A_443, %min3A_441 : vector<16xi32>
        %slice3A_445 = vector.extract_strided_slice %get3A_37 {offsets = [15], sizes = [1], strides = [1]} : vector<16xi32> to vector<1xi32>
        %squeeze3A_446 = vector.extract %slice3A_445[0] : i32 from vector<1xi32>
        %mul3A_447 = vector.broadcast %squeeze3A_446 : i32 to vector<16xi32>
        %mul3A_448 = arith.muli %sub3A_444, %mul3A_447 : vector<16xi32>
        %slice3A_449 = vector.extract_strided_slice %add3A_121 {offsets = [15], sizes = [1], strides = [1]} : vector<16xi32> to vector<1xi32>
        %squeeze3A_450 = vector.extract %slice3A_449[0] : i32 from vector<1xi32>
        %sub3A_451 = vector.broadcast %squeeze3A_450 : i32 to vector<16xi32>
        %sub3A_452 = arith.subi %sub3A_451, %add3A_433 : vector<16xi32>
        %mul3A_453 = arith.muli %sub3A_452, %mul3A_448 : vector<16xi32>
        %add3A_454 = arith.addi %add3A_433, %mul3A_453 : vector<16xi32>
        %swap3A_455 = arith.index_cast %scan3A_32 : i32 to index
        %swap3A_456 = tpu.vector_load %arg7[%swap3A_455] {strides = array<i32>} : memref<2048xi32, #tpu.memory_space<vmem>>, vector<16xi32>,
        %swap3A_457 = vector.shape_cast %swap3A_456 : vector<16xi32> to vector<16xi32>
        %swap3A_458 = vector.shape_cast %add3A_454 : vector<16xi32> to vector<16xi32>
        tpu.vector_store %arg7[%swap3A_455], %swap3A_458 {strides = array<i32>} : memref<2048xi32, #tpu.memory_space<vmem>>, vector<16xi32>,
        %slice3A_459 = vector.extract_strided_slice %add3A_113 {offsets = [15], sizes = [1], strides = [1]} : vector<16xi32> to vector<1xi32>
        %squeeze3A_460 = vector.extract %slice3A_459[0] : i32 from vector<1xi32>
        %add3A_461 = arith.addi %scan3A_32, %squeeze3A_460 : i32
        scf.yield %add3A_461, %add3A_454 : i32, vector<16xi32>
      }
      %scan3A_18 = arith.constant 128 : i32
      %mul3A_19 = arith.constant 0 : i32
      %mul3A_20 = vector.broadcast %mul3A_19 : i32 to vector<16xi32>
      %mul3A_21 = arith.muli %iota3A, %mul3A_20 : vector<16xi32>
      %add3A_22 = vector.broadcast %scan3A_17#0 : i32 to vector<16xi32>
      %add3A_23 = arith.addi %mul3A_21, %add3A_22 : vector<16xi32>
      %swap3A = arith.constant 0 : index
      %swap3A_24 = tpu.vector_load %arg9[%swap3A] {strides = array<i32>} : memref<16xi32, #tpu.memory_space<vmem>>, vector<16xi32>,
      %swap3A_25 = vector.shape_cast %swap3A_24 : vector<16xi32> to vector<16xi32>
      %swap3A_26 = vector.shape_cast %add3A_23 : vector<16xi32> to vector<16xi32>
      tpu.vector_store %arg9[%swap3A], %swap3A_26 {strides = array<i32>} : memref<16xi32, #tpu.memory_space<vmem>>, vector<16xi32>,
      %dma_start3A = arith.constant 0 : i32
      %dma_start3A_27 = arith.constant 0 : i32
      %dma_start3A_28 = tpu.memref_slice %arg2[%dma_start3A, %dma_start3A_27] : memref<32768x16xf32, #tpu.memory_space<hbm>> -> memref<32768x16xf32, #tpu.memory_space<hbm>>
      tpu.enqueue_indirect_dma source(%dma_start3A_28 : memref<32768x16xf32, #tpu.memory_space<hbm>>) target(%arg8 : memref<2048x16xf32, #tpu.memory_space<vmem>>) offsets(%arg7 : memref<2048xi32, #tpu.memory_space<vmem>>) semaphore(%arg10 : memref<!tpu.dma_semaphore, #tpu.memory_space<semaphore_mem>>)
      %dma_wait3A = arith.constant 0 : i32
      %dma_wait3A_29 = arith.constant 0 : i32
      %dma_wait3A_30 = tpu.memref_slice %arg2[%dma_wait3A, %dma_wait3A_29] : memref<32768x16xf32, #tpu.memory_space<hbm>> -> memref<32768x16xf32, #tpu.memory_space<hbm>>
      tpu.wait_indirect_dma semaphore(%arg10 : memref<!tpu.dma_semaphore, #tpu.memory_space<semaphore_mem>>) src(%dma_wait3A_30 : memref<32768x16xf32, #tpu.memory_space<hbm>>) dst(%arg8 : memref<2048x16xf32, #tpu.memory_space<vmem>>)
      "tpu.region"() ({
        %run_scoped3A = tpu.sem_alloc : memref<!tpu.dma_semaphore, #tpu.memory_space<semaphore_mem>>
        %dma_start3A_31 = arith.constant 0 : i32
        %dma_start3A_32 = arith.constant 0 : i32
        %dma_start3A_33 = tpu.memref_slice %arg4[%add3A, %dma_start3A_31, %dma_start3A_32] : memref<16x2048x16xf32, #tpu.memory_space<hbm>> -> memref<1x2048x16xf32, #tpu.memory_space<hbm>>
        %dma_start3A_34 = tpu.memref_squeeze %dma_start3A_33 : memref<1x2048x16xf32, #tpu.memory_space<hbm>> -> memref<2048x16xf32, #tpu.memory_space<hbm>>
        %dma_start3A_35 = arith.constant 0 : i32
        %dma_start3A_36 = arith.constant 0 : i32
        %dma_start3A_37 = tpu.memref_slice %arg4[%add3A, %dma_start3A_35, %dma_start3A_36] : memref<16x2048x16xf32, #tpu.memory_space<hbm>> -> memref<1x2048x16xf32, #tpu.memory_space<hbm>>
        %dma_start3A_38 = tpu.memref_squeeze %dma_start3A_37 : memref<1x2048x16xf32, #tpu.memory_space<hbm>> -> memref<2048x16xf32, #tpu.memory_space<hbm>>
        tpu.enqueue_dma source(%arg8 : memref<2048x16xf32, #tpu.memory_space<vmem>>) target(%dma_start3A_38 : memref<2048x16xf32, #tpu.memory_space<hbm>>) target_semaphore(%run_scoped3A : memref<!tpu.dma_semaphore, #tpu.memory_space<semaphore_mem>>)
        %dma_wait3A_39 = arith.constant 0 : i32
        %dma_wait3A_40 = arith.constant 0 : i32
        %dma_wait3A_41 = tpu.memref_slice %arg4[%add3A, %dma_wait3A_39, %dma_wait3A_40] : memref<16x2048x16xf32, #tpu.memory_space<hbm>> -> memref<1x2048x16xf32, #tpu.memory_space<hbm>>
        %dma_wait3A_42 = tpu.memref_squeeze %dma_wait3A_41 : memref<1x2048x16xf32, #tpu.memory_space<hbm>> -> memref<2048x16xf32, #tpu.memory_space<hbm>>
        %dma_wait3A_43 = arith.constant 0 : i32
        %dma_wait3A_44 = arith.constant 0 : i32
        %dma_wait3A_45 = tpu.memref_slice %arg4[%add3A, %dma_wait3A_43, %dma_wait3A_44] : memref<16x2048x16xf32, #tpu.memory_space<hbm>> -> memref<1x2048x16xf32, #tpu.memory_space<hbm>>
        %dma_wait3A_46 = tpu.memref_squeeze %dma_wait3A_45 : memref<1x2048x16xf32, #tpu.memory_space<hbm>> -> memref<2048x16xf32, #tpu.memory_space<hbm>>
        tpu.wait_dma2 semaphore(%run_scoped3A : memref<!tpu.dma_semaphore, #tpu.memory_space<semaphore_mem>>) src(%arg8 : memref<2048x16xf32, #tpu.memory_space<vmem>>) dst(%dma_wait3A_46 : memref<2048x16xf32, #tpu.memory_space<hbm>>)
        tpu.yield
      }) : () -> ()
      "tpu.region"() ({
        %run_scoped3A = tpu.sem_alloc : memref<!tpu.dma_semaphore, #tpu.memory_space<semaphore_mem>>
        %dma_start3A_31 = arith.constant 0 : i32
        %dma_start3A_32 = tpu.memref_slice %arg5[%add3A, %dma_start3A_31] : memref<16x16xi32, #tpu.memory_space<hbm>> -> memref<1x16xi32, #tpu.memory_space<hbm>>
        %dma_start3A_33 = tpu.memref_squeeze %dma_start3A_32 : memref<1x16xi32, #tpu.memory_space<hbm>> -> memref<16xi32, #tpu.memory_space<hbm>>
        %dma_start3A_34 = arith.constant 0 : i32
        %dma_start3A_35 = tpu.memref_slice %arg5[%add3A, %dma_start3A_34] : memref<16x16xi32, #tpu.memory_space<hbm>> -> memref<1x16xi32, #tpu.memory_space<hbm>>
        %dma_start3A_36 = tpu.memref_squeeze %dma_start3A_35 : memref<1x16xi32, #tpu.memory_space<hbm>> -> memref<16xi32, #tpu.memory_space<hbm>>
        tpu.enqueue_dma source(%arg9 : memref<16xi32, #tpu.memory_space<vmem>>) target(%dma_start3A_36 : memref<16xi32, #tpu.memory_space<hbm>>) target_semaphore(%run_scoped3A : memref<!tpu.dma_semaphore, #tpu.memory_space<semaphore_mem>>)
        %dma_wait3A_37 = arith.constant 0 : i32
        %dma_wait3A_38 = tpu.memref_slice %arg5[%add3A, %dma_wait3A_37] : memref<16x16xi32, #tpu.memory_space<hbm>> -> memref<1x16xi32, #tpu.memory_space<hbm>>
        %dma_wait3A_39 = tpu.memref_squeeze %dma_wait3A_38 : memref<1x16xi32, #tpu.memory_space<hbm>> -> memref<16xi32, #tpu.memory_space<hbm>>
        %dma_wait3A_40 = arith.constant 0 : i32
        %dma_wait3A_41 = tpu.memref_slice %arg5[%add3A, %dma_wait3A_40] : memref<16x16xi32, #tpu.memory_space<hbm>> -> memref<1x16xi32, #tpu.memory_space<hbm>>
        %dma_wait3A_42 = tpu.memref_squeeze %dma_wait3A_41 : memref<1x16xi32, #tpu.memory_space<hbm>> -> memref<16xi32, #tpu.memory_space<hbm>>
        tpu.wait_dma2 semaphore(%run_scoped3A : memref<!tpu.dma_semaphore, #tpu.memory_space<semaphore_mem>>) src(%arg9 : memref<16xi32, #tpu.memory_space<vmem>>) dst(%dma_wait3A_42 : memref<16xi32, #tpu.memory_space<hbm>>)
        tpu.yield
      }) : () -> ()
    } else {
    }
    return
  }
}

module attributes {stable_mosaic.version = 14 : i64} {
  func.func @_tc_body(%arg0: i32, %arg1: memref<16x16xi32, #tpu.memory_space<smem>>, %arg2: memref<2048x16xf32, #tpu.memory_space<vmem>>, %arg3: memref<16x128xf32, #tpu.memory_space<vmem>>, %arg4: memref<1x128xf32, #tpu.memory_space<vmem>>, %arg5: memref<1x128xf32, #tpu.memory_space<vmem>>, %arg6: memref<1x128xf32, #tpu.memory_space<vmem>>, %arg7: memref<128x256xf32, #tpu.memory_space<vmem>>, %arg8: memref<1x256xf32, #tpu.memory_space<vmem>>, %arg9: memref<512x256xf32, #tpu.memory_space<vmem>>, %arg10: memref<1x256xf32, #tpu.memory_space<vmem>>, %arg11: memref<1x256xf32, #tpu.memory_space<vmem>>, %arg12: memref<1x256xf32, #tpu.memory_space<vmem>>, %arg13: memref<256x256xf32, #tpu.memory_space<vmem>>, %arg14: memref<1x256xf32, #tpu.memory_space<vmem>>, %arg15: memref<16x256xf32, #tpu.memory_space<vmem>>, %arg16: memref<32768x128xbf16, #tpu.memory_space<vmem>>, %arg17: memref<32768x256xbf16, #tpu.memory_space<vmem>>, %arg18: memref<32768x256xbf16, #tpu.memory_space<vmem>>, %arg19: memref<16x256xf32, #tpu.memory_space<vmem>>, %arg20: memref<16x256xf32, #tpu.memory_space<vmem>>, %arg21: memref<1x128xf32, #tpu.memory_space<vmem>>, %arg22: memref<1x128xf32, #tpu.memory_space<vmem>>, %arg23: memref<1x128xf32, #tpu.memory_space<vmem>>, %arg24: memref<1x128xf32, #tpu.memory_space<vmem>>, %arg25: memref<1x128xf32, #tpu.memory_space<vmem>>, %arg26: memref<1x256xf32, #tpu.memory_space<vmem>>, %arg27: memref<1x256xf32, #tpu.memory_space<vmem>>, %arg28: memref<1x256xf32, #tpu.memory_space<vmem>>, %arg29: memref<1x256xf32, #tpu.memory_space<vmem>>) attributes {dimension_semantics = [#tpu.dimension_semantics<arbitrary>], iteration_bounds = array<i64: 64>, scalar_prefetch = 1 : i64, scratch_operands = 14 : i64, tpu.core_type = #tpu.core_type<tc>, window_params = [{transform_indices = @transform_0, window_bounds = array<i64: 2048, 16>}, {pipeline_mode = #tpu.pipeline_mode<synchronous>, transform_indices = @transform_1, window_bounds = array<i64: 16, 128>}, {pipeline_mode = #tpu.pipeline_mode<synchronous>, transform_indices = @transform_2, window_bounds = array<i64: 1, 128>}, {pipeline_mode = #tpu.pipeline_mode<synchronous>, transform_indices = @transform_3, window_bounds = array<i64: 1, 128>}, {pipeline_mode = #tpu.pipeline_mode<synchronous>, transform_indices = @transform_4, window_bounds = array<i64: 1, 128>}, {pipeline_mode = #tpu.pipeline_mode<synchronous>, transform_indices = @transform_5, window_bounds = array<i64: 128, 256>}, {pipeline_mode = #tpu.pipeline_mode<synchronous>, transform_indices = @transform_6, window_bounds = array<i64: 1, 256>}, {pipeline_mode = #tpu.pipeline_mode<synchronous>, transform_indices = @transform_7, window_bounds = array<i64: 512, 256>}, {pipeline_mode = #tpu.pipeline_mode<synchronous>, transform_indices = @transform_8, window_bounds = array<i64: 1, 256>}, {pipeline_mode = #tpu.pipeline_mode<synchronous>, transform_indices = @transform_9, window_bounds = array<i64: 1, 256>}, {pipeline_mode = #tpu.pipeline_mode<synchronous>, transform_indices = @transform_10, window_bounds = array<i64: 1, 256>}, {pipeline_mode = #tpu.pipeline_mode<synchronous>, transform_indices = @transform_11, window_bounds = array<i64: 256, 256>}, {pipeline_mode = #tpu.pipeline_mode<synchronous>, transform_indices = @transform_12, window_bounds = array<i64: 1, 256>}, {pipeline_mode = #tpu.pipeline_mode<synchronous>, transform_indices = @transform_13, window_bounds = array<i64: 16, 256>}]} {
    %rem3A = arith.constant 16 : i32
    %rem3A_0 = arith.remsi %arg0, %rem3A : i32
    %div3A = arith.constant 16 : i32
    %div3A_1 = arith.divsi %arg0, %div3A : i32
    %get3A = arith.index_cast %rem3A_0 : i32 to index
    %get3A_2 = arith.constant 0 : index
    %get3A_3 = memref.load %arg1[%get3A, %get3A_2] : memref<16x16xi32, #tpu.memory_space<smem>>
    %add3A = arith.constant 255 : i32
    %add3A_4 = arith.addi %get3A_3, %add3A : i32
    %div3A_5 = arith.constant 256 : i32
    %div3A_6 = arith.divsi %add3A_4, %div3A_5 : i32
    %max3A = arith.constant 1 : i32
    %max3A_7 = arith.maxsi %div3A_6, %max3A : i32
    %iota3A = tpu.iota {dimensions = array<i32: 0>} : vector<256x1xi32>
    %eq3A = arith.constant 0 : i32
    %eq3A_8 = arith.cmpi eq, %arg0, %eq3A : i32
    %convert_element_type3A = arith.extui %eq3A_8 : i1 to i32
    %cond3A = arith.constant 0 : i32
    %cond3A_9 = arith.cmpi ne, %convert_element_type3A, %cond3A : i32
    scf.if %cond3A_9 {
      %broadcast_in_dim3A = arith.constant 0.000000e+00 : f32
      %broadcast_in_dim3A_53 = vector.broadcast %broadcast_in_dim3A : f32 to vector<1x128xf32>
      %swap3A = arith.constant 0 : index
      %swap3A_54 = arith.constant 0 : index
      %swap3A_55 = vector.load %arg21[%swap3A, %swap3A_54] : memref<1x128xf32, #tpu.memory_space<vmem>>, vector<1x128xf32>
      tpu.vector_store %arg21[%swap3A, %swap3A_54], %broadcast_in_dim3A_53 {strides = array<i32>} : memref<1x128xf32, #tpu.memory_space<vmem>>, vector<1x128xf32>,
      %broadcast_in_dim3A_56 = arith.constant 0.000000e+00 : f32
      %broadcast_in_dim3A_57 = vector.broadcast %broadcast_in_dim3A_56 : f32 to vector<1x128xf32>
      %swap3A_58 = arith.constant 0 : index
      %swap3A_59 = arith.constant 0 : index
      %swap3A_60 = vector.load %arg22[%swap3A_58, %swap3A_59] : memref<1x128xf32, #tpu.memory_space<vmem>>, vector<1x128xf32>
      tpu.vector_store %arg22[%swap3A_58, %swap3A_59], %broadcast_in_dim3A_57 {strides = array<i32>} : memref<1x128xf32, #tpu.memory_space<vmem>>, vector<1x128xf32>,
      %broadcast_in_dim3A_61 = arith.constant 0.000000e+00 : f32
      %broadcast_in_dim3A_62 = vector.broadcast %broadcast_in_dim3A_61 : f32 to vector<1x128xf32>
      %swap3A_63 = arith.constant 0 : index
      %swap3A_64 = arith.constant 0 : index
      %swap3A_65 = vector.load %arg23[%swap3A_63, %swap3A_64] : memref<1x128xf32, #tpu.memory_space<vmem>>, vector<1x128xf32>
      tpu.vector_store %arg23[%swap3A_63, %swap3A_64], %broadcast_in_dim3A_62 {strides = array<i32>} : memref<1x128xf32, #tpu.memory_space<vmem>>, vector<1x128xf32>,
      %broadcast_in_dim3A_66 = arith.constant 0.000000e+00 : f32
      %broadcast_in_dim3A_67 = vector.broadcast %broadcast_in_dim3A_66 : f32 to vector<1x256xf32>
      %swap3A_68 = arith.constant 0 : index
      %swap3A_69 = arith.constant 0 : index
      %swap3A_70 = vector.load %arg26[%swap3A_68, %swap3A_69] : memref<1x256xf32, #tpu.memory_space<vmem>>, vector<1x256xf32>
      tpu.vector_store %arg26[%swap3A_68, %swap3A_69], %broadcast_in_dim3A_67 {strides = array<i32>} : memref<1x256xf32, #tpu.memory_space<vmem>>, vector<1x256xf32>,
      %broadcast_in_dim3A_71 = arith.constant 0.000000e+00 : f32
      %broadcast_in_dim3A_72 = vector.broadcast %broadcast_in_dim3A_71 : f32 to vector<1x256xf32>
      %swap3A_73 = arith.constant 0 : index
      %swap3A_74 = arith.constant 0 : index
      %swap3A_75 = vector.load %arg27[%swap3A_73, %swap3A_74] : memref<1x256xf32, #tpu.memory_space<vmem>>, vector<1x256xf32>
      tpu.vector_store %arg27[%swap3A_73, %swap3A_74], %broadcast_in_dim3A_72 {strides = array<i32>} : memref<1x256xf32, #tpu.memory_space<vmem>>, vector<1x256xf32>,
    } else {
    }
    %eq3A_10 = arith.constant 0 : i32
    %eq3A_11 = arith.cmpi eq, %div3A_1, %eq3A_10 : i32
    %convert_element_type3A_12 = arith.extui %eq3A_11 : i1 to i32
    %cond3A_13 = arith.constant 0 : i32
    %cond3A_14 = arith.cmpi ne, %convert_element_type3A_12, %cond3A_13 : i32
    scf.if %cond3A_14 {
      %get3A_53 = arith.constant 0 : index
      %get3A_54 = arith.constant 0 : index
      %get3A_55 = vector.load %arg21[%get3A_53, %get3A_54] : memref<1x128xf32, #tpu.memory_space<vmem>>, vector<1x128xf32>
      %convert_element_type3A_56 = arith.sitofp %get3A_3 : i32 to f32
      %add3A_57 = vector.broadcast %convert_element_type3A_56 : f32 to vector<1x128xf32>
      %add3A_58 = arith.addf %get3A_55, %add3A_57 : vector<1x128xf32>
      %swap3A = arith.constant 0 : index
      %swap3A_59 = arith.constant 0 : index
      %swap3A_60 = vector.load %arg21[%swap3A, %swap3A_59] : memref<1x128xf32, #tpu.memory_space<vmem>>, vector<1x128xf32>
      tpu.vector_store %arg21[%swap3A, %swap3A_59], %add3A_58 {strides = array<i32>} : memref<1x128xf32, #tpu.memory_space<vmem>>, vector<1x128xf32>,
      %while3A = arith.constant 0 : i32
      %while3A_61 = arith.constant 0 : i32
      %while3A_62 = arith.subi %max3A_7, %while3A : i32
      %while3A_63 = arith.addi %while3A, %while3A_62 : i32
      %while3A_64 = arith.constant 1 : i32
      %while3A_65 = arith.divsi %while3A_62, %while3A_64 : i32
      %while3A_66 = arith.muli %while3A_65, %while3A_64 : i32
      %while3A_67 = arith.addi %while3A, %while3A_66 : i32
      %while3A_68 = arith.constant 1 : i32
      %while3A_69 = scf.for %while3A_72 = %while3A to %while3A_67 step %while3A_68 iter_args(%while3A_73 = %while3A_61) -> (i32)  : i32 {
        %mul3A = arith.constant 2048 : i32
        %mul3A_74 = arith.muli %rem3A_0, %mul3A : i32
        %mul3A_75 = arith.constant 256 : i32
        %mul3A_76 = arith.muli %while3A_72, %mul3A_75 : i32
        %add3A_77 = arith.addi %mul3A_74, %mul3A_76 : i32
        %mul3A_78 = arith.constant 256 : i32
        %mul3A_79 = arith.muli %while3A_72, %mul3A_78 : i32
        %get3A_80 = arith.index_cast %mul3A_79 : i32 to index
        %get3A_81 = arith.constant 0 : index
        %get3A_82 = vector.load %arg2[%get3A_80, %get3A_81] : memref<2048x16xf32, #tpu.memory_space<vmem>>, vector<256x16xf32>
        %mul3A_83 = arith.constant 256 : i32
        %mul3A_84 = arith.muli %while3A_72, %mul3A_83 : i32
        %add3A_85 = vector.broadcast %mul3A_84 : i32 to vector<256x1xi32>
        %add3A_86 = arith.addi %iota3A, %add3A_85 : vector<256x1xi32>
        %lt3A = vector.broadcast %get3A_3 : i32 to vector<256x1xi32>
        %lt3A_87 = arith.cmpi slt, %add3A_86, %lt3A : vector<256x1xi32>
        %get3A_88 = arith.constant 0 : index
        %get3A_89 = arith.constant 0 : index
        %get3A_90 = vector.load %arg3[%get3A_88, %get3A_89] : memref<16x128xf32, #tpu.memory_space<vmem>>, vector<16x128xf32>
        %dot_general3A = arith.constant dense<0.000000e+00> : vector<256x128xf32>
        %dot_general3A_91 = tpu.matmul %get3A_82, %get3A_90, %dot_general3A {dimension_numbers = #tpu.dot_dimension_numbers<[1], [0], [0], [1], [0, 0, 1, 1], [], []>, transpose_lhs_hint = false} : vector<256x16xf32>, vector<16x128xf32>, vector<256x128xf32> -> vector<256x128xf32>
        %get3A_92 = arith.constant 0 : index
        %get3A_93 = arith.constant 0 : index
        %get3A_94 = vector.load %arg4[%get3A_92, %get3A_93] : memref<1x128xf32, #tpu.memory_space<vmem>>, vector<1x128xf32>
        %add3A_95 = vector.broadcast %get3A_94 : vector<1x128xf32> to vector<256x128xf32>
        %add3A_96 = arith.addf %dot_general3A_91, %add3A_95 : vector<256x128xf32>
        %convert_element_type3A_97 = arith.truncf %add3A_96 : vector<256x128xf32> to vector<256x128xbf16>
        %swap3A_98 = arith.index_cast %add3A_77 : i32 to index
        %swap3A_99 = arith.constant 0 : index
        %swap3A_100 = vector.load %arg16[%swap3A_98, %swap3A_99] : memref<32768x128xbf16, #tpu.memory_space<vmem>>, vector<256x128xbf16>
        tpu.vector_store %arg16[%swap3A_98, %swap3A_99], %convert_element_type3A_97 {strides = array<i32>} : memref<32768x128xbf16, #tpu.memory_space<vmem>>, vector<256x128xbf16>,
        %jit3A = arith.constant 0.000000e+00 : f32
        %broadcast_in_dim3A = vector.shape_cast %lt3A_87 : vector<256x1xi1> to vector<256x1xi1>
        %broadcast_in_dim3A_101 = vector.broadcast %broadcast_in_dim3A : vector<256x1xi1> to vector<256x128xi1>
        %broadcast_in_dim3A_102 = vector.broadcast %jit3A : f32 to vector<256x128xf32>
        %select_n3A = arith.select %broadcast_in_dim3A_101, %add3A_96, %broadcast_in_dim3A_102 : vector<256x128xi1>, vector<256x128xf32>
        %get3A_103 = arith.constant 0 : index
        %get3A_104 = arith.constant 0 : index
        %get3A_105 = vector.load %arg22[%get3A_103, %get3A_104] : memref<1x128xf32, #tpu.memory_space<vmem>>, vector<1x128xf32>
        %reduce_sum3A = arith.constant dense<0.000000e+00> : vector<128xf32>
        %reduce_sum3A_106 = vector.multi_reduction <add>, %select_n3A, %reduce_sum3A [0] : vector<256x128xf32> to vector<128xf32>
        %broadcast_in_dim3A_107 = vector.shape_cast %reduce_sum3A_106 : vector<128xf32> to vector<1x128xf32>
        %add3A_108 = arith.addf %get3A_105, %broadcast_in_dim3A_107 : vector<1x128xf32>
        %swap3A_109 = arith.constant 0 : index
        %swap3A_110 = arith.constant 0 : index
        %swap3A_111 = vector.load %arg22[%swap3A_109, %swap3A_110] : memref<1x128xf32, #tpu.memory_space<vmem>>, vector<1x128xf32>
        tpu.vector_store %arg22[%swap3A_109, %swap3A_110], %add3A_108 {strides = array<i32>} : memref<1x128xf32, #tpu.memory_space<vmem>>, vector<1x128xf32>,
        %get3A_112 = arith.constant 0 : index
        %get3A_113 = arith.constant 0 : index
        %get3A_114 = vector.load %arg23[%get3A_112, %get3A_113] : memref<1x128xf32, #tpu.memory_space<vmem>>, vector<1x128xf32>
        %mul3A_115 = arith.mulf %select_n3A, %add3A_96 : vector<256x128xf32>
        %reduce_sum3A_116 = arith.constant dense<0.000000e+00> : vector<128xf32>
        %reduce_sum3A_117 = vector.multi_reduction <add>, %mul3A_115, %reduce_sum3A_116 [0] : vector<256x128xf32> to vector<128xf32>
        %broadcast_in_dim3A_118 = vector.shape_cast %reduce_sum3A_117 : vector<128xf32> to vector<1x128xf32>
        %add3A_119 = arith.addf %get3A_114, %broadcast_in_dim3A_118 : vector<1x128xf32>
        %swap3A_120 = arith.constant 0 : index
        %swap3A_121 = arith.constant 0 : index
        %swap3A_122 = vector.load %arg23[%swap3A_120, %swap3A_121] : memref<1x128xf32, #tpu.memory_space<vmem>>, vector<1x128xf32>
        tpu.vector_store %arg23[%swap3A_120, %swap3A_121], %add3A_119 {strides = array<i32>} : memref<1x128xf32, #tpu.memory_space<vmem>>, vector<1x128xf32>,
        %while3A_123 = arith.constant 0 : i32
        scf.yield %while3A_123 : i32
      }
      %while3A_70 = arith.constant 1 : i32
      %while3A_71 = scf.for %while3A_72 = %while3A_67 to %while3A_63 step %while3A_70 iter_args(%while3A_73 = %while3A_69) -> (i32)  : i32 {
        %mul3A = arith.constant 2048 : i32
        %mul3A_74 = arith.muli %rem3A_0, %mul3A : i32
        %mul3A_75 = arith.constant 256 : i32
        %mul3A_76 = arith.muli %while3A_72, %mul3A_75 : i32
        %add3A_77 = arith.addi %mul3A_74, %mul3A_76 : i32
        %mul3A_78 = arith.constant 256 : i32
        %mul3A_79 = arith.muli %while3A_72, %mul3A_78 : i32
        %get3A_80 = arith.index_cast %mul3A_79 : i32 to index
        %get3A_81 = arith.constant 0 : index
        %get3A_82 = vector.load %arg2[%get3A_80, %get3A_81] : memref<2048x16xf32, #tpu.memory_space<vmem>>, vector<256x16xf32>
        %mul3A_83 = arith.constant 256 : i32
        %mul3A_84 = arith.muli %while3A_72, %mul3A_83 : i32
        %add3A_85 = vector.broadcast %mul3A_84 : i32 to vector<256x1xi32>
        %add3A_86 = arith.addi %iota3A, %add3A_85 : vector<256x1xi32>
        %lt3A = vector.broadcast %get3A_3 : i32 to vector<256x1xi32>
        %lt3A_87 = arith.cmpi slt, %add3A_86, %lt3A : vector<256x1xi32>
        %get3A_88 = arith.constant 0 : index
        %get3A_89 = arith.constant 0 : index
        %get3A_90 = vector.load %arg3[%get3A_88, %get3A_89] : memref<16x128xf32, #tpu.memory_space<vmem>>, vector<16x128xf32>
        %dot_general3A = arith.constant dense<0.000000e+00> : vector<256x128xf32>
        %dot_general3A_91 = tpu.matmul %get3A_82, %get3A_90, %dot_general3A {dimension_numbers = #tpu.dot_dimension_numbers<[1], [0], [0], [1], [0, 0, 1, 1], [], []>, transpose_lhs_hint = false} : vector<256x16xf32>, vector<16x128xf32>, vector<256x128xf32> -> vector<256x128xf32>
        %get3A_92 = arith.constant 0 : index
        %get3A_93 = arith.constant 0 : index
        %get3A_94 = vector.load %arg4[%get3A_92, %get3A_93] : memref<1x128xf32, #tpu.memory_space<vmem>>, vector<1x128xf32>
        %add3A_95 = vector.broadcast %get3A_94 : vector<1x128xf32> to vector<256x128xf32>
        %add3A_96 = arith.addf %dot_general3A_91, %add3A_95 : vector<256x128xf32>
        %convert_element_type3A_97 = arith.truncf %add3A_96 : vector<256x128xf32> to vector<256x128xbf16>
        %swap3A_98 = arith.index_cast %add3A_77 : i32 to index
        %swap3A_99 = arith.constant 0 : index
        %swap3A_100 = vector.load %arg16[%swap3A_98, %swap3A_99] : memref<32768x128xbf16, #tpu.memory_space<vmem>>, vector<256x128xbf16>
        tpu.vector_store %arg16[%swap3A_98, %swap3A_99], %convert_element_type3A_97 {strides = array<i32>} : memref<32768x128xbf16, #tpu.memory_space<vmem>>, vector<256x128xbf16>,
        %jit3A = arith.constant 0.000000e+00 : f32
        %broadcast_in_dim3A = vector.shape_cast %lt3A_87 : vector<256x1xi1> to vector<256x1xi1>
        %broadcast_in_dim3A_101 = vector.broadcast %broadcast_in_dim3A : vector<256x1xi1> to vector<256x128xi1>
        %broadcast_in_dim3A_102 = vector.broadcast %jit3A : f32 to vector<256x128xf32>
        %select_n3A = arith.select %broadcast_in_dim3A_101, %add3A_96, %broadcast_in_dim3A_102 : vector<256x128xi1>, vector<256x128xf32>
        %get3A_103 = arith.constant 0 : index
        %get3A_104 = arith.constant 0 : index
        %get3A_105 = vector.load %arg22[%get3A_103, %get3A_104] : memref<1x128xf32, #tpu.memory_space<vmem>>, vector<1x128xf32>
        %reduce_sum3A = arith.constant dense<0.000000e+00> : vector<128xf32>
        %reduce_sum3A_106 = vector.multi_reduction <add>, %select_n3A, %reduce_sum3A [0] : vector<256x128xf32> to vector<128xf32>
        %broadcast_in_dim3A_107 = vector.shape_cast %reduce_sum3A_106 : vector<128xf32> to vector<1x128xf32>
        %add3A_108 = arith.addf %get3A_105, %broadcast_in_dim3A_107 : vector<1x128xf32>
        %swap3A_109 = arith.constant 0 : index
        %swap3A_110 = arith.constant 0 : index
        %swap3A_111 = vector.load %arg22[%swap3A_109, %swap3A_110] : memref<1x128xf32, #tpu.memory_space<vmem>>, vector<1x128xf32>
        tpu.vector_store %arg22[%swap3A_109, %swap3A_110], %add3A_108 {strides = array<i32>} : memref<1x128xf32, #tpu.memory_space<vmem>>, vector<1x128xf32>,
        %get3A_112 = arith.constant 0 : index
        %get3A_113 = arith.constant 0 : index
        %get3A_114 = vector.load %arg23[%get3A_112, %get3A_113] : memref<1x128xf32, #tpu.memory_space<vmem>>, vector<1x128xf32>
        %mul3A_115 = arith.mulf %select_n3A, %add3A_96 : vector<256x128xf32>
        %reduce_sum3A_116 = arith.constant dense<0.000000e+00> : vector<128xf32>
        %reduce_sum3A_117 = vector.multi_reduction <add>, %mul3A_115, %reduce_sum3A_116 [0] : vector<256x128xf32> to vector<128xf32>
        %broadcast_in_dim3A_118 = vector.shape_cast %reduce_sum3A_117 : vector<128xf32> to vector<1x128xf32>
        %add3A_119 = arith.addf %get3A_114, %broadcast_in_dim3A_118 : vector<1x128xf32>
        %swap3A_120 = arith.constant 0 : index
        %swap3A_121 = arith.constant 0 : index
        %swap3A_122 = vector.load %arg23[%swap3A_120, %swap3A_121] : memref<1x128xf32, #tpu.memory_space<vmem>>, vector<1x128xf32>
        tpu.vector_store %arg23[%swap3A_120, %swap3A_121], %add3A_119 {strides = array<i32>} : memref<1x128xf32, #tpu.memory_space<vmem>>, vector<1x128xf32>,
        %while3A_123 = arith.constant 0 : i32
        scf.yield %while3A_123 : i32
      }
    } else {
    }
    %eq3A_15 = arith.constant 1 : i32
    %eq3A_16 = arith.cmpi eq, %div3A_1, %eq3A_15 : i32
    %eq3A_17 = arith.constant 0 : i32
    %eq3A_18 = arith.cmpi eq, %rem3A_0, %eq3A_17 : i32
    %and3A = arith.andi %eq3A_16, %eq3A_18 : i1
    %convert_element_type3A_19 = arith.extui %and3A : i1 to i32
    %cond3A_20 = arith.constant 0 : i32
    %cond3A_21 = arith.cmpi ne, %convert_element_type3A_19, %cond3A_20 : i32
    scf.if %cond3A_21 {
      %get3A_53 = arith.constant 0 : index
      %get3A_54 = arith.constant 0 : index
      %get3A_55 = vector.load %arg21[%get3A_53, %get3A_54] : memref<1x128xf32, #tpu.memory_space<vmem>>, vector<1x1xf32>
      %div3A_56 = arith.constant 1.000000e+00 : f32
      %div3A_57 = vector.broadcast %div3A_56 : f32 to vector<1x1xf32>
      %div3A_58 = arith.divf %div3A_57, %get3A_55 : vector<1x1xf32>
      %get3A_59 = arith.constant 0 : index
      %get3A_60 = arith.constant 0 : index
      %get3A_61 = vector.load %arg22[%get3A_59, %get3A_60] : memref<1x128xf32, #tpu.memory_space<vmem>>, vector<1x128xf32>
      %mul3A = vector.broadcast %div3A_58 : vector<1x1xf32> to vector<1x128xf32>
      %mul3A_62 = arith.mulf %get3A_61, %mul3A : vector<1x128xf32>
      %get3A_63 = arith.constant 0 : index
      %get3A_64 = arith.constant 0 : index
      %get3A_65 = vector.load %arg23[%get3A_63, %get3A_64] : memref<1x128xf32, #tpu.memory_space<vmem>>, vector<1x128xf32>
      %mul3A_66 = vector.broadcast %div3A_58 : vector<1x1xf32> to vector<1x128xf32>
      %mul3A_67 = arith.mulf %get3A_65, %mul3A_66 : vector<1x128xf32>
      %mul3A_68 = arith.mulf %mul3A_62, %mul3A_62 : vector<1x128xf32>
      %sub3A = arith.subf %mul3A_67, %mul3A_68 : vector<1x128xf32>
      %get3A_69 = arith.constant 0 : index
      %get3A_70 = arith.constant 0 : index
      %get3A_71 = vector.load %arg5[%get3A_69, %get3A_70] : memref<1x128xf32, #tpu.memory_space<vmem>>, vector<1x128xf32>
      %add3A_72 = arith.constant 9.99999974E-6 : f32
      %add3A_73 = vector.broadcast %add3A_72 : f32 to vector<1x128xf32>
      %add3A_74 = arith.addf %sub3A, %add3A_73 : vector<1x128xf32>
      %rsqrt3A = math.rsqrt %add3A_74 : vector<1x128xf32>
      %mul3A_75 = arith.mulf %get3A_71, %rsqrt3A : vector<1x128xf32>
      %swap3A = arith.constant 0 : index
      %swap3A_76 = arith.constant 0 : index
      %swap3A_77 = vector.load %arg24[%swap3A, %swap3A_76] : memref<1x128xf32, #tpu.memory_space<vmem>>, vector<1x128xf32>
      tpu.vector_store %arg24[%swap3A, %swap3A_76], %mul3A_75 {strides = array<i32>} : memref<1x128xf32, #tpu.memory_space<vmem>>, vector<1x128xf32>,
      %get3A_78 = arith.constant 0 : index
      %get3A_79 = arith.constant 0 : index
      %get3A_80 = vector.load %arg6[%get3A_78, %get3A_79] : memref<1x128xf32, #tpu.memory_space<vmem>>, vector<1x128xf32>
      %mul3A_81 = arith.mulf %mul3A_62, %mul3A_75 : vector<1x128xf32>
      %sub3A_82 = arith.subf %get3A_80, %mul3A_81 : vector<1x128xf32>
      %swap3A_83 = arith.constant 0 : index
      %swap3A_84 = arith.constant 0 : index
      %swap3A_85 = vector.load %arg25[%swap3A_83, %swap3A_84] : memref<1x128xf32, #tpu.memory_space<vmem>>, vector<1x128xf32>
      tpu.vector_store %arg25[%swap3A_83, %swap3A_84], %sub3A_82 {strides = array<i32>} : memref<1x128xf32, #tpu.memory_space<vmem>>, vector<1x128xf32>,
    } else {
    }
    %eq3A_22 = arith.constant 1 : i32
    %eq3A_23 = arith.cmpi eq, %div3A_1, %eq3A_22 : i32
    %convert_element_type3A_24 = arith.extui %eq3A_23 : i1 to i32
    %cond3A_25 = arith.constant 0 : i32
    %cond3A_26 = arith.cmpi ne, %convert_element_type3A_24, %cond3A_25 : i32
    scf.if %cond3A_26 {
      %lt3A = arith.constant 2048 : i32
      %lt3A_53 = arith.cmpi slt, %get3A_3, %lt3A : i32
      %jit3A = arith.constant 0.000000e+00 : f32
      %jit3A_54 = arith.constant 0xFF800000 : f32
      %select_n3A = arith.select %lt3A_53, %jit3A, %jit3A_54 : f32
      %broadcast_in_dim3A = vector.broadcast %select_n3A : f32 to vector<1x256xf32>
      %swap3A = arith.index_cast %rem3A_0 : i32 to index
      %swap3A_55 = arith.constant 0 : index
      %swap3A_56 = vector.load %arg19[%swap3A, %swap3A_55] : memref<16x256xf32, #tpu.memory_space<vmem>>, vector<1x256xf32>
      tpu.vector_store %arg19[%swap3A, %swap3A_55], %broadcast_in_dim3A {strides = array<i32>} : memref<16x256xf32, #tpu.memory_space<vmem>>, vector<1x256xf32>,
      %while3A = arith.constant 0 : i32
      %while3A_57 = arith.constant 0 : i32
      %while3A_58 = arith.subi %max3A_7, %while3A : i32
      %while3A_59 = arith.addi %while3A, %while3A_58 : i32
      %while3A_60 = arith.constant 1 : i32
      %while3A_61 = arith.divsi %while3A_58, %while3A_60 : i32
      %while3A_62 = arith.muli %while3A_61, %while3A_60 : i32
      %while3A_63 = arith.addi %while3A, %while3A_62 : i32
      %while3A_64 = arith.constant 1 : i32
      %while3A_65 = scf.for %while3A_68 = %while3A to %while3A_63 step %while3A_64 iter_args(%while3A_69 = %while3A_57) -> (i32)  : i32 {
        %mul3A = arith.constant 2048 : i32
        %mul3A_70 = arith.muli %rem3A_0, %mul3A : i32
        %mul3A_71 = arith.constant 256 : i32
        %mul3A_72 = arith.muli %while3A_68, %mul3A_71 : i32
        %add3A_73 = arith.addi %mul3A_70, %mul3A_72 : i32
        %mul3A_74 = arith.constant 256 : i32
        %mul3A_75 = arith.muli %while3A_68, %mul3A_74 : i32
        %add3A_76 = vector.broadcast %mul3A_75 : i32 to vector<256x1xi32>
        %add3A_77 = arith.addi %iota3A, %add3A_76 : vector<256x1xi32>
        %lt3A_78 = vector.broadcast %get3A_3 : i32 to vector<256x1xi32>
        %lt3A_79 = arith.cmpi slt, %add3A_77, %lt3A_78 : vector<256x1xi32>
        %get3A_80 = arith.index_cast %add3A_73 : i32 to index
        %get3A_81 = arith.constant 0 : index
        %get3A_82 = vector.load %arg16[%get3A_80, %get3A_81] : memref<32768x128xbf16, #tpu.memory_space<vmem>>, vector<256x128xbf16>
        %convert_element_type3A_83 = arith.extf %get3A_82 : vector<256x128xbf16> to vector<256x128xf32>
        %get3A_84 = arith.constant 0 : index
        %get3A_85 = arith.constant 0 : index
        %get3A_86 = vector.load %arg24[%get3A_84, %get3A_85] : memref<1x128xf32, #tpu.memory_space<vmem>>, vector<1x128xf32>
        %mul3A_87 = vector.broadcast %get3A_86 : vector<1x128xf32> to vector<256x128xf32>
        %mul3A_88 = arith.mulf %convert_element_type3A_83, %mul3A_87 : vector<256x128xf32>
        %get3A_89 = arith.constant 0 : index
        %get3A_90 = arith.constant 0 : index
        %get3A_91 = vector.load %arg25[%get3A_89, %get3A_90] : memref<1x128xf32, #tpu.memory_space<vmem>>, vector<1x128xf32>
        %add3A_92 = vector.broadcast %get3A_91 : vector<1x128xf32> to vector<256x128xf32>
        %add3A_93 = arith.addf %mul3A_88, %add3A_92 : vector<256x128xf32>
        %max3A_94 = arith.constant 0.000000e+00 : f32
        %max3A_95 = vector.broadcast %max3A_94 : f32 to vector<256x128xf32>
        %max3A_96 = arith.maximumf %add3A_93, %max3A_95 : vector<256x128xf32>
        %convert_element_type3A_97 = arith.truncf %max3A_96 : vector<256x128xf32> to vector<256x128xbf16>
        %get3A_98 = arith.constant 0 : index
        %get3A_99 = arith.constant 0 : index
        %get3A_100 = vector.load %arg7[%get3A_98, %get3A_99] : memref<128x256xf32, #tpu.memory_space<vmem>>, vector<128x256xf32>
        %convert_element_type3A_101 = arith.truncf %get3A_100 : vector<128x256xf32> to vector<128x256xbf16>
        %dot_general3A = arith.constant dense<0.000000e+00> : vector<256x256xf32>
        %dot_general3A_102 = tpu.matmul %convert_element_type3A_97, %convert_element_type3A_101, %dot_general3A {dimension_numbers = #tpu.dot_dimension_numbers<[1], [0], [0], [1], [0, 0, 1, 1], [], []>, transpose_lhs_hint = false} : vector<256x128xbf16>, vector<128x256xbf16>, vector<256x256xf32> -> vector<256x256xf32>
        %get3A_103 = arith.constant 0 : index
        %get3A_104 = arith.constant 0 : index
        %get3A_105 = vector.load %arg8[%get3A_103, %get3A_104] : memref<1x256xf32, #tpu.memory_space<vmem>>, vector<1x256xf32>
        %add3A_106 = vector.broadcast %get3A_105 : vector<1x256xf32> to vector<256x256xf32>
        %add3A_107 = arith.addf %dot_general3A_102, %add3A_106 : vector<256x256xf32>
        %jit3A_108 = arith.constant 0.000000e+00 : f32
        %broadcast_in_dim3A_109 = vector.shape_cast %lt3A_79 : vector<256x1xi1> to vector<256x1xi1>
        %broadcast_in_dim3A_110 = vector.broadcast %broadcast_in_dim3A_109 : vector<256x1xi1> to vector<256x256xi1>
        %broadcast_in_dim3A_111 = vector.broadcast %jit3A_108 : f32 to vector<256x256xf32>
        %select_n3A_112 = arith.select %broadcast_in_dim3A_110, %add3A_107, %broadcast_in_dim3A_111 : vector<256x256xi1>, vector<256x256xf32>
        %convert_element_type3A_113 = arith.truncf %select_n3A_112 : vector<256x256xf32> to vector<256x256xbf16>
        %swap3A_114 = arith.index_cast %add3A_73 : i32 to index
        %swap3A_115 = arith.constant 0 : index
        %swap3A_116 = vector.load %arg17[%swap3A_114, %swap3A_115] : memref<32768x256xbf16, #tpu.memory_space<vmem>>, vector<256x256xbf16>
        tpu.vector_store %arg17[%swap3A_114, %swap3A_115], %convert_element_type3A_113 {strides = array<i32>} : memref<32768x256xbf16, #tpu.memory_space<vmem>>, vector<256x256xbf16>,
        %reduce_max3A = arith.constant dense<0xFF800000> : vector<256xf32>
        %reduce_max3A_117 = vector.multi_reduction <maximumf>, %select_n3A_112, %reduce_max3A [0] : vector<256x256xf32> to vector<256xf32>
        %broadcast_in_dim3A_118 = vector.shape_cast %reduce_max3A_117 : vector<256xf32> to vector<1x256xf32>
        %get3A_119 = arith.index_cast %rem3A_0 : i32 to index
        %get3A_120 = arith.constant 0 : index
        %get3A_121 = vector.load %arg19[%get3A_119, %get3A_120] : memref<16x256xf32, #tpu.memory_space<vmem>>, vector<1x256xf32>
        %max3A_122 = arith.maximumf %get3A_121, %broadcast_in_dim3A_118 : vector<1x256xf32>
        %swap3A_123 = arith.index_cast %rem3A_0 : i32 to index
        %swap3A_124 = arith.constant 0 : index
        %swap3A_125 = vector.load %arg19[%swap3A_123, %swap3A_124] : memref<16x256xf32, #tpu.memory_space<vmem>>, vector<1x256xf32>
        tpu.vector_store %arg19[%swap3A_123, %swap3A_124], %max3A_122 {strides = array<i32>} : memref<16x256xf32, #tpu.memory_space<vmem>>, vector<1x256xf32>,
        %while3A_126 = arith.constant 0 : i32
        scf.yield %while3A_126 : i32
      }
      %while3A_66 = arith.constant 1 : i32
      %while3A_67 = scf.for %while3A_68 = %while3A_63 to %while3A_59 step %while3A_66 iter_args(%while3A_69 = %while3A_65) -> (i32)  : i32 {
        %mul3A = arith.constant 2048 : i32
        %mul3A_70 = arith.muli %rem3A_0, %mul3A : i32
        %mul3A_71 = arith.constant 256 : i32
        %mul3A_72 = arith.muli %while3A_68, %mul3A_71 : i32
        %add3A_73 = arith.addi %mul3A_70, %mul3A_72 : i32
        %mul3A_74 = arith.constant 256 : i32
        %mul3A_75 = arith.muli %while3A_68, %mul3A_74 : i32
        %add3A_76 = vector.broadcast %mul3A_75 : i32 to vector<256x1xi32>
        %add3A_77 = arith.addi %iota3A, %add3A_76 : vector<256x1xi32>
        %lt3A_78 = vector.broadcast %get3A_3 : i32 to vector<256x1xi32>
        %lt3A_79 = arith.cmpi slt, %add3A_77, %lt3A_78 : vector<256x1xi32>
        %get3A_80 = arith.index_cast %add3A_73 : i32 to index
        %get3A_81 = arith.constant 0 : index
        %get3A_82 = vector.load %arg16[%get3A_80, %get3A_81] : memref<32768x128xbf16, #tpu.memory_space<vmem>>, vector<256x128xbf16>
        %convert_element_type3A_83 = arith.extf %get3A_82 : vector<256x128xbf16> to vector<256x128xf32>
        %get3A_84 = arith.constant 0 : index
        %get3A_85 = arith.constant 0 : index
        %get3A_86 = vector.load %arg24[%get3A_84, %get3A_85] : memref<1x128xf32, #tpu.memory_space<vmem>>, vector<1x128xf32>
        %mul3A_87 = vector.broadcast %get3A_86 : vector<1x128xf32> to vector<256x128xf32>
        %mul3A_88 = arith.mulf %convert_element_type3A_83, %mul3A_87 : vector<256x128xf32>
        %get3A_89 = arith.constant 0 : index
        %get3A_90 = arith.constant 0 : index
        %get3A_91 = vector.load %arg25[%get3A_89, %get3A_90] : memref<1x128xf32, #tpu.memory_space<vmem>>, vector<1x128xf32>
        %add3A_92 = vector.broadcast %get3A_91 : vector<1x128xf32> to vector<256x128xf32>
        %add3A_93 = arith.addf %mul3A_88, %add3A_92 : vector<256x128xf32>
        %max3A_94 = arith.constant 0.000000e+00 : f32
        %max3A_95 = vector.broadcast %max3A_94 : f32 to vector<256x128xf32>
        %max3A_96 = arith.maximumf %add3A_93, %max3A_95 : vector<256x128xf32>
        %convert_element_type3A_97 = arith.truncf %max3A_96 : vector<256x128xf32> to vector<256x128xbf16>
        %get3A_98 = arith.constant 0 : index
        %get3A_99 = arith.constant 0 : index
        %get3A_100 = vector.load %arg7[%get3A_98, %get3A_99] : memref<128x256xf32, #tpu.memory_space<vmem>>, vector<128x256xf32>
        %convert_element_type3A_101 = arith.truncf %get3A_100 : vector<128x256xf32> to vector<128x256xbf16>
        %dot_general3A = arith.constant dense<0.000000e+00> : vector<256x256xf32>
        %dot_general3A_102 = tpu.matmul %convert_element_type3A_97, %convert_element_type3A_101, %dot_general3A {dimension_numbers = #tpu.dot_dimension_numbers<[1], [0], [0], [1], [0, 0, 1, 1], [], []>, transpose_lhs_hint = false} : vector<256x128xbf16>, vector<128x256xbf16>, vector<256x256xf32> -> vector<256x256xf32>
        %get3A_103 = arith.constant 0 : index
        %get3A_104 = arith.constant 0 : index
        %get3A_105 = vector.load %arg8[%get3A_103, %get3A_104] : memref<1x256xf32, #tpu.memory_space<vmem>>, vector<1x256xf32>
        %add3A_106 = vector.broadcast %get3A_105 : vector<1x256xf32> to vector<256x256xf32>
        %add3A_107 = arith.addf %dot_general3A_102, %add3A_106 : vector<256x256xf32>
        %jit3A_108 = arith.constant 0.000000e+00 : f32
        %broadcast_in_dim3A_109 = vector.shape_cast %lt3A_79 : vector<256x1xi1> to vector<256x1xi1>
        %broadcast_in_dim3A_110 = vector.broadcast %broadcast_in_dim3A_109 : vector<256x1xi1> to vector<256x256xi1>
        %broadcast_in_dim3A_111 = vector.broadcast %jit3A_108 : f32 to vector<256x256xf32>
        %select_n3A_112 = arith.select %broadcast_in_dim3A_110, %add3A_107, %broadcast_in_dim3A_111 : vector<256x256xi1>, vector<256x256xf32>
        %convert_element_type3A_113 = arith.truncf %select_n3A_112 : vector<256x256xf32> to vector<256x256xbf16>
        %swap3A_114 = arith.index_cast %add3A_73 : i32 to index
        %swap3A_115 = arith.constant 0 : index
        %swap3A_116 = vector.load %arg17[%swap3A_114, %swap3A_115] : memref<32768x256xbf16, #tpu.memory_space<vmem>>, vector<256x256xbf16>
        tpu.vector_store %arg17[%swap3A_114, %swap3A_115], %convert_element_type3A_113 {strides = array<i32>} : memref<32768x256xbf16, #tpu.memory_space<vmem>>, vector<256x256xbf16>,
        %reduce_max3A = arith.constant dense<0xFF800000> : vector<256xf32>
        %reduce_max3A_117 = vector.multi_reduction <maximumf>, %select_n3A_112, %reduce_max3A [0] : vector<256x256xf32> to vector<256xf32>
        %broadcast_in_dim3A_118 = vector.shape_cast %reduce_max3A_117 : vector<256xf32> to vector<1x256xf32>
        %get3A_119 = arith.index_cast %rem3A_0 : i32 to index
        %get3A_120 = arith.constant 0 : index
        %get3A_121 = vector.load %arg19[%get3A_119, %get3A_120] : memref<16x256xf32, #tpu.memory_space<vmem>>, vector<1x256xf32>
        %max3A_122 = arith.maximumf %get3A_121, %broadcast_in_dim3A_118 : vector<1x256xf32>
        %swap3A_123 = arith.index_cast %rem3A_0 : i32 to index
        %swap3A_124 = arith.constant 0 : index
        %swap3A_125 = vector.load %arg19[%swap3A_123, %swap3A_124] : memref<16x256xf32, #tpu.memory_space<vmem>>, vector<1x256xf32>
        tpu.vector_store %arg19[%swap3A_123, %swap3A_124], %max3A_122 {strides = array<i32>} : memref<16x256xf32, #tpu.memory_space<vmem>>, vector<1x256xf32>,
        %while3A_126 = arith.constant 0 : i32
        scf.yield %while3A_126 : i32
      }
    } else {
    }
    %eq3A_27 = arith.constant 2 : i32
    %eq3A_28 = arith.cmpi eq, %div3A_1, %eq3A_27 : i32
    %eq3A_29 = arith.constant 0 : i32
    %eq3A_30 = arith.cmpi eq, %rem3A_0, %eq3A_29 : i32
    %and3A_31 = arith.andi %eq3A_28, %eq3A_30 : i1
    %convert_element_type3A_32 = arith.extui %and3A_31 : i1 to i32
    %cond3A_33 = arith.constant 0 : i32
    %cond3A_34 = arith.cmpi ne, %convert_element_type3A_32, %cond3A_33 : i32
    scf.if %cond3A_34 {
      %get3A_53 = arith.constant 0 : index
      %get3A_54 = arith.constant 0 : index
      %get3A_55 = vector.load %arg19[%get3A_53, %get3A_54] : memref<16x256xf32, #tpu.memory_space<vmem>>, vector<16x256xf32>
      %get3A_56 = arith.constant 256 : index
      %get3A_57 = arith.constant 0 : index
      %get3A_58 = vector.load %arg9[%get3A_56, %get3A_57] : memref<512x256xf32, #tpu.memory_space<vmem>>, vector<256x256xf32>
      %dot_general3A = arith.constant dense<0.000000e+00> : vector<16x256xf32>
      %dot_general3A_59 = tpu.matmul %get3A_55, %get3A_58, %dot_general3A {dimension_numbers = #tpu.dot_dimension_numbers<[1], [0], [0], [1], [0, 0, 1, 1], [], []>, transpose_lhs_hint = false} : vector<16x256xf32>, vector<256x256xf32>, vector<16x256xf32> -> vector<16x256xf32>
      %get3A_60 = arith.constant 0 : index
      %get3A_61 = arith.constant 0 : index
      %get3A_62 = vector.load %arg10[%get3A_60, %get3A_61] : memref<1x256xf32, #tpu.memory_space<vmem>>, vector<1x256xf32>
      %add3A_63 = vector.broadcast %get3A_62 : vector<1x256xf32> to vector<16x256xf32>
      %add3A_64 = arith.addf %dot_general3A_59, %add3A_63 : vector<16x256xf32>
      %swap3A = arith.constant 0 : index
      %swap3A_65 = arith.constant 0 : index
      %swap3A_66 = vector.load %arg20[%swap3A, %swap3A_65] : memref<16x256xf32, #tpu.memory_space<vmem>>, vector<16x256xf32>
      tpu.vector_store %arg20[%swap3A, %swap3A_65], %add3A_64 {strides = array<i32>} : memref<16x256xf32, #tpu.memory_space<vmem>>, vector<16x256xf32>,
    } else {
    }
    %eq3A_35 = arith.constant 2 : i32
    %eq3A_36 = arith.cmpi eq, %div3A_1, %eq3A_35 : i32
    %convert_element_type3A_37 = arith.extui %eq3A_36 : i1 to i32
    %cond3A_38 = arith.constant 0 : i32
    %cond3A_39 = arith.cmpi ne, %convert_element_type3A_37, %cond3A_38 : i32
    scf.if %cond3A_39 {
      %while3A = arith.constant 0 : i32
      %while3A_53 = arith.constant 0 : i32
      %while3A_54 = arith.subi %max3A_7, %while3A : i32
      %while3A_55 = arith.addi %while3A, %while3A_54 : i32
      %while3A_56 = arith.constant 1 : i32
      %while3A_57 = arith.divsi %while3A_54, %while3A_56 : i32
      %while3A_58 = arith.muli %while3A_57, %while3A_56 : i32
      %while3A_59 = arith.addi %while3A, %while3A_58 : i32
      %while3A_60 = arith.constant 1 : i32
      %while3A_61 = scf.for %while3A_64 = %while3A to %while3A_59 step %while3A_60 iter_args(%while3A_65 = %while3A_53) -> (i32)  : i32 {
        %mul3A = arith.constant 2048 : i32
        %mul3A_66 = arith.muli %rem3A_0, %mul3A : i32
        %mul3A_67 = arith.constant 256 : i32
        %mul3A_68 = arith.muli %while3A_64, %mul3A_67 : i32
        %add3A_69 = arith.addi %mul3A_66, %mul3A_68 : i32
        %mul3A_70 = arith.constant 256 : i32
        %mul3A_71 = arith.muli %while3A_64, %mul3A_70 : i32
        %add3A_72 = vector.broadcast %mul3A_71 : i32 to vector<256x1xi32>
        %add3A_73 = arith.addi %iota3A, %add3A_72 : vector<256x1xi32>
        %lt3A = vector.broadcast %get3A_3 : i32 to vector<256x1xi32>
        %lt3A_74 = arith.cmpi slt, %add3A_73, %lt3A : vector<256x1xi32>
        %get3A_75 = arith.index_cast %add3A_69 : i32 to index
        %get3A_76 = arith.constant 0 : index
        %get3A_77 = vector.load %arg17[%get3A_75, %get3A_76] : memref<32768x256xbf16, #tpu.memory_space<vmem>>, vector<256x256xbf16>
        %get3A_78 = arith.constant 0 : index
        %get3A_79 = arith.constant 0 : index
        %get3A_80 = vector.load %arg9[%get3A_78, %get3A_79] : memref<512x256xf32, #tpu.memory_space<vmem>>, vector<256x256xf32>
        %convert_element_type3A_81 = arith.truncf %get3A_80 : vector<256x256xf32> to vector<256x256xbf16>
        %dot_general3A = arith.constant dense<0.000000e+00> : vector<256x256xf32>
        %dot_general3A_82 = tpu.matmul %get3A_77, %convert_element_type3A_81, %dot_general3A {dimension_numbers = #tpu.dot_dimension_numbers<[1], [0], [0], [1], [0, 0, 1, 1], [], []>, transpose_lhs_hint = false} : vector<256x256xbf16>, vector<256x256xbf16>, vector<256x256xf32> -> vector<256x256xf32>
        %get3A_83 = arith.index_cast %rem3A_0 : i32 to index
        %get3A_84 = arith.constant 0 : index
        %get3A_85 = vector.load %arg20[%get3A_83, %get3A_84] : memref<16x256xf32, #tpu.memory_space<vmem>>, vector<1x256xf32>
        %add3A_86 = vector.broadcast %get3A_85 : vector<1x256xf32> to vector<256x256xf32>
        %add3A_87 = arith.addf %dot_general3A_82, %add3A_86 : vector<256x256xf32>
        %convert_element_type3A_88 = arith.truncf %add3A_87 : vector<256x256xf32> to vector<256x256xbf16>
        %swap3A = arith.index_cast %add3A_69 : i32 to index
        %swap3A_89 = arith.constant 0 : index
        %swap3A_90 = vector.load %arg18[%swap3A, %swap3A_89] : memref<32768x256xbf16, #tpu.memory_space<vmem>>, vector<256x256xbf16>
        tpu.vector_store %arg18[%swap3A, %swap3A_89], %convert_element_type3A_88 {strides = array<i32>} : memref<32768x256xbf16, #tpu.memory_space<vmem>>, vector<256x256xbf16>,
        %jit3A = arith.constant 0.000000e+00 : f32
        %broadcast_in_dim3A = vector.shape_cast %lt3A_74 : vector<256x1xi1> to vector<256x1xi1>
        %broadcast_in_dim3A_91 = vector.broadcast %broadcast_in_dim3A : vector<256x1xi1> to vector<256x256xi1>
        %broadcast_in_dim3A_92 = vector.broadcast %jit3A : f32 to vector<256x256xf32>
        %select_n3A = arith.select %broadcast_in_dim3A_91, %add3A_87, %broadcast_in_dim3A_92 : vector<256x256xi1>, vector<256x256xf32>
        %get3A_93 = arith.constant 0 : index
        %get3A_94 = arith.constant 0 : index
        %get3A_95 = vector.load %arg26[%get3A_93, %get3A_94] : memref<1x256xf32, #tpu.memory_space<vmem>>, vector<1x256xf32>
        %reduce_sum3A = arith.constant dense<0.000000e+00> : vector<256xf32>
        %reduce_sum3A_96 = vector.multi_reduction <add>, %select_n3A, %reduce_sum3A [0] : vector<256x256xf32> to vector<256xf32>
        %broadcast_in_dim3A_97 = vector.shape_cast %reduce_sum3A_96 : vector<256xf32> to vector<1x256xf32>
        %add3A_98 = arith.addf %get3A_95, %broadcast_in_dim3A_97 : vector<1x256xf32>
        %swap3A_99 = arith.constant 0 : index
        %swap3A_100 = arith.constant 0 : index
        %swap3A_101 = vector.load %arg26[%swap3A_99, %swap3A_100] : memref<1x256xf32, #tpu.memory_space<vmem>>, vector<1x256xf32>
        tpu.vector_store %arg26[%swap3A_99, %swap3A_100], %add3A_98 {strides = array<i32>} : memref<1x256xf32, #tpu.memory_space<vmem>>, vector<1x256xf32>,
        %get3A_102 = arith.constant 0 : index
        %get3A_103 = arith.constant 0 : index
        %get3A_104 = vector.load %arg27[%get3A_102, %get3A_103] : memref<1x256xf32, #tpu.memory_space<vmem>>, vector<1x256xf32>
        %mul3A_105 = arith.mulf %select_n3A, %add3A_87 : vector<256x256xf32>
        %reduce_sum3A_106 = arith.constant dense<0.000000e+00> : vector<256xf32>
        %reduce_sum3A_107 = vector.multi_reduction <add>, %mul3A_105, %reduce_sum3A_106 [0] : vector<256x256xf32> to vector<256xf32>
        %broadcast_in_dim3A_108 = vector.shape_cast %reduce_sum3A_107 : vector<256xf32> to vector<1x256xf32>
        %add3A_109 = arith.addf %get3A_104, %broadcast_in_dim3A_108 : vector<1x256xf32>
        %swap3A_110 = arith.constant 0 : index
        %swap3A_111 = arith.constant 0 : index
        %swap3A_112 = vector.load %arg27[%swap3A_110, %swap3A_111] : memref<1x256xf32, #tpu.memory_space<vmem>>, vector<1x256xf32>
        tpu.vector_store %arg27[%swap3A_110, %swap3A_111], %add3A_109 {strides = array<i32>} : memref<1x256xf32, #tpu.memory_space<vmem>>, vector<1x256xf32>,
        %while3A_113 = arith.constant 0 : i32
        scf.yield %while3A_113 : i32
      }
      %while3A_62 = arith.constant 1 : i32
      %while3A_63 = scf.for %while3A_64 = %while3A_59 to %while3A_55 step %while3A_62 iter_args(%while3A_65 = %while3A_61) -> (i32)  : i32 {
        %mul3A = arith.constant 2048 : i32
        %mul3A_66 = arith.muli %rem3A_0, %mul3A : i32
        %mul3A_67 = arith.constant 256 : i32
        %mul3A_68 = arith.muli %while3A_64, %mul3A_67 : i32
        %add3A_69 = arith.addi %mul3A_66, %mul3A_68 : i32
        %mul3A_70 = arith.constant 256 : i32
        %mul3A_71 = arith.muli %while3A_64, %mul3A_70 : i32
        %add3A_72 = vector.broadcast %mul3A_71 : i32 to vector<256x1xi32>
        %add3A_73 = arith.addi %iota3A, %add3A_72 : vector<256x1xi32>
        %lt3A = vector.broadcast %get3A_3 : i32 to vector<256x1xi32>
        %lt3A_74 = arith.cmpi slt, %add3A_73, %lt3A : vector<256x1xi32>
        %get3A_75 = arith.index_cast %add3A_69 : i32 to index
        %get3A_76 = arith.constant 0 : index
        %get3A_77 = vector.load %arg17[%get3A_75, %get3A_76] : memref<32768x256xbf16, #tpu.memory_space<vmem>>, vector<256x256xbf16>
        %get3A_78 = arith.constant 0 : index
        %get3A_79 = arith.constant 0 : index
        %get3A_80 = vector.load %arg9[%get3A_78, %get3A_79] : memref<512x256xf32, #tpu.memory_space<vmem>>, vector<256x256xf32>
        %convert_element_type3A_81 = arith.truncf %get3A_80 : vector<256x256xf32> to vector<256x256xbf16>
        %dot_general3A = arith.constant dense<0.000000e+00> : vector<256x256xf32>
        %dot_general3A_82 = tpu.matmul %get3A_77, %convert_element_type3A_81, %dot_general3A {dimension_numbers = #tpu.dot_dimension_numbers<[1], [0], [0], [1], [0, 0, 1, 1], [], []>, transpose_lhs_hint = false} : vector<256x256xbf16>, vector<256x256xbf16>, vector<256x256xf32> -> vector<256x256xf32>
        %get3A_83 = arith.index_cast %rem3A_0 : i32 to index
        %get3A_84 = arith.constant 0 : index
        %get3A_85 = vector.load %arg20[%get3A_83, %get3A_84] : memref<16x256xf32, #tpu.memory_space<vmem>>, vector<1x256xf32>
        %add3A_86 = vector.broadcast %get3A_85 : vector<1x256xf32> to vector<256x256xf32>
        %add3A_87 = arith.addf %dot_general3A_82, %add3A_86 : vector<256x256xf32>
        %convert_element_type3A_88 = arith.truncf %add3A_87 : vector<256x256xf32> to vector<256x256xbf16>
        %swap3A = arith.index_cast %add3A_69 : i32 to index
        %swap3A_89 = arith.constant 0 : index
        %swap3A_90 = vector.load %arg18[%swap3A, %swap3A_89] : memref<32768x256xbf16, #tpu.memory_space<vmem>>, vector<256x256xbf16>
        tpu.vector_store %arg18[%swap3A, %swap3A_89], %convert_element_type3A_88 {strides = array<i32>} : memref<32768x256xbf16, #tpu.memory_space<vmem>>, vector<256x256xbf16>,
        %jit3A = arith.constant 0.000000e+00 : f32
        %broadcast_in_dim3A = vector.shape_cast %lt3A_74 : vector<256x1xi1> to vector<256x1xi1>
        %broadcast_in_dim3A_91 = vector.broadcast %broadcast_in_dim3A : vector<256x1xi1> to vector<256x256xi1>
        %broadcast_in_dim3A_92 = vector.broadcast %jit3A : f32 to vector<256x256xf32>
        %select_n3A = arith.select %broadcast_in_dim3A_91, %add3A_87, %broadcast_in_dim3A_92 : vector<256x256xi1>, vector<256x256xf32>
        %get3A_93 = arith.constant 0 : index
        %get3A_94 = arith.constant 0 : index
        %get3A_95 = vector.load %arg26[%get3A_93, %get3A_94] : memref<1x256xf32, #tpu.memory_space<vmem>>, vector<1x256xf32>
        %reduce_sum3A = arith.constant dense<0.000000e+00> : vector<256xf32>
        %reduce_sum3A_96 = vector.multi_reduction <add>, %select_n3A, %reduce_sum3A [0] : vector<256x256xf32> to vector<256xf32>
        %broadcast_in_dim3A_97 = vector.shape_cast %reduce_sum3A_96 : vector<256xf32> to vector<1x256xf32>
        %add3A_98 = arith.addf %get3A_95, %broadcast_in_dim3A_97 : vector<1x256xf32>
        %swap3A_99 = arith.constant 0 : index
        %swap3A_100 = arith.constant 0 : index
        %swap3A_101 = vector.load %arg26[%swap3A_99, %swap3A_100] : memref<1x256xf32, #tpu.memory_space<vmem>>, vector<1x256xf32>
        tpu.vector_store %arg26[%swap3A_99, %swap3A_100], %add3A_98 {strides = array<i32>} : memref<1x256xf32, #tpu.memory_space<vmem>>, vector<1x256xf32>,
        %get3A_102 = arith.constant 0 : index
        %get3A_103 = arith.constant 0 : index
        %get3A_104 = vector.load %arg27[%get3A_102, %get3A_103] : memref<1x256xf32, #tpu.memory_space<vmem>>, vector<1x256xf32>
        %mul3A_105 = arith.mulf %select_n3A, %add3A_87 : vector<256x256xf32>
        %reduce_sum3A_106 = arith.constant dense<0.000000e+00> : vector<256xf32>
        %reduce_sum3A_107 = vector.multi_reduction <add>, %mul3A_105, %reduce_sum3A_106 [0] : vector<256x256xf32> to vector<256xf32>
        %broadcast_in_dim3A_108 = vector.shape_cast %reduce_sum3A_107 : vector<256xf32> to vector<1x256xf32>
        %add3A_109 = arith.addf %get3A_104, %broadcast_in_dim3A_108 : vector<1x256xf32>
        %swap3A_110 = arith.constant 0 : index
        %swap3A_111 = arith.constant 0 : index
        %swap3A_112 = vector.load %arg27[%swap3A_110, %swap3A_111] : memref<1x256xf32, #tpu.memory_space<vmem>>, vector<1x256xf32>
        tpu.vector_store %arg27[%swap3A_110, %swap3A_111], %add3A_109 {strides = array<i32>} : memref<1x256xf32, #tpu.memory_space<vmem>>, vector<1x256xf32>,
        %while3A_113 = arith.constant 0 : i32
        scf.yield %while3A_113 : i32
      }
    } else {
    }
    %eq3A_40 = arith.constant 3 : i32
    %eq3A_41 = arith.cmpi eq, %div3A_1, %eq3A_40 : i32
    %eq3A_42 = arith.constant 0 : i32
    %eq3A_43 = arith.cmpi eq, %rem3A_0, %eq3A_42 : i32
    %and3A_44 = arith.andi %eq3A_41, %eq3A_43 : i1
    %convert_element_type3A_45 = arith.extui %and3A_44 : i1 to i32
    %cond3A_46 = arith.constant 0 : i32
    %cond3A_47 = arith.cmpi ne, %convert_element_type3A_45, %cond3A_46 : i32
    scf.if %cond3A_47 {
      %get3A_53 = arith.constant 0 : index
      %get3A_54 = arith.constant 0 : index
      %get3A_55 = vector.load %arg21[%get3A_53, %get3A_54] : memref<1x128xf32, #tpu.memory_space<vmem>>, vector<1x1xf32>
      %div3A_56 = arith.constant 1.000000e+00 : f32
      %div3A_57 = vector.broadcast %div3A_56 : f32 to vector<1x1xf32>
      %div3A_58 = arith.divf %div3A_57, %get3A_55 : vector<1x1xf32>
      %get3A_59 = arith.constant 0 : index
      %get3A_60 = arith.constant 0 : index
      %get3A_61 = vector.load %arg26[%get3A_59, %get3A_60] : memref<1x256xf32, #tpu.memory_space<vmem>>, vector<1x256xf32>
      %mul3A = vector.broadcast %div3A_58 : vector<1x1xf32> to vector<1x256xf32>
      %mul3A_62 = arith.mulf %get3A_61, %mul3A : vector<1x256xf32>
      %get3A_63 = arith.constant 0 : index
      %get3A_64 = arith.constant 0 : index
      %get3A_65 = vector.load %arg27[%get3A_63, %get3A_64] : memref<1x256xf32, #tpu.memory_space<vmem>>, vector<1x256xf32>
      %mul3A_66 = vector.broadcast %div3A_58 : vector<1x1xf32> to vector<1x256xf32>
      %mul3A_67 = arith.mulf %get3A_65, %mul3A_66 : vector<1x256xf32>
      %mul3A_68 = arith.mulf %mul3A_62, %mul3A_62 : vector<1x256xf32>
      %sub3A = arith.subf %mul3A_67, %mul3A_68 : vector<1x256xf32>
      %get3A_69 = arith.constant 0 : index
      %get3A_70 = arith.constant 0 : index
      %get3A_71 = vector.load %arg11[%get3A_69, %get3A_70] : memref<1x256xf32, #tpu.memory_space<vmem>>, vector<1x256xf32>
      %add3A_72 = arith.constant 9.99999974E-6 : f32
      %add3A_73 = vector.broadcast %add3A_72 : f32 to vector<1x256xf32>
      %add3A_74 = arith.addf %sub3A, %add3A_73 : vector<1x256xf32>
      %rsqrt3A = math.rsqrt %add3A_74 : vector<1x256xf32>
      %mul3A_75 = arith.mulf %get3A_71, %rsqrt3A : vector<1x256xf32>
      %swap3A = arith.constant 0 : index
      %swap3A_76 = arith.constant 0 : index
      %swap3A_77 = vector.load %arg28[%swap3A, %swap3A_76] : memref<1x256xf32, #tpu.memory_space<vmem>>, vector<1x256xf32>
      tpu.vector_store %arg28[%swap3A, %swap3A_76], %mul3A_75 {strides = array<i32>} : memref<1x256xf32, #tpu.memory_space<vmem>>, vector<1x256xf32>,
      %get3A_78 = arith.constant 0 : index
      %get3A_79 = arith.constant 0 : index
      %get3A_80 = vector.load %arg12[%get3A_78, %get3A_79] : memref<1x256xf32, #tpu.memory_space<vmem>>, vector<1x256xf32>
      %mul3A_81 = arith.mulf %mul3A_62, %mul3A_75 : vector<1x256xf32>
      %sub3A_82 = arith.subf %get3A_80, %mul3A_81 : vector<1x256xf32>
      %swap3A_83 = arith.constant 0 : index
      %swap3A_84 = arith.constant 0 : index
      %swap3A_85 = vector.load %arg29[%swap3A_83, %swap3A_84] : memref<1x256xf32, #tpu.memory_space<vmem>>, vector<1x256xf32>
      tpu.vector_store %arg29[%swap3A_83, %swap3A_84], %sub3A_82 {strides = array<i32>} : memref<1x256xf32, #tpu.memory_space<vmem>>, vector<1x256xf32>,
    } else {
    }
    %eq3A_48 = arith.constant 3 : i32
    %eq3A_49 = arith.cmpi eq, %div3A_1, %eq3A_48 : i32
    %convert_element_type3A_50 = arith.extui %eq3A_49 : i1 to i32
    %cond3A_51 = arith.constant 0 : i32
    %cond3A_52 = arith.cmpi ne, %convert_element_type3A_50, %cond3A_51 : i32
    scf.if %cond3A_52 {
      %lt3A = arith.constant 2048 : i32
      %lt3A_53 = arith.cmpi slt, %get3A_3, %lt3A : i32
      %jit3A = arith.constant 0.000000e+00 : f32
      %jit3A_54 = arith.constant 0xFF800000 : f32
      %select_n3A = arith.select %lt3A_53, %jit3A, %jit3A_54 : f32
      %broadcast_in_dim3A = vector.broadcast %select_n3A : f32 to vector<1x256xf32>
      %swap3A = arith.index_cast %rem3A_0 : i32 to index
      %swap3A_55 = arith.constant 0 : index
      %swap3A_56 = vector.load %arg15[%swap3A, %swap3A_55] : memref<16x256xf32, #tpu.memory_space<vmem>>, vector<1x256xf32>
      tpu.vector_store %arg15[%swap3A, %swap3A_55], %broadcast_in_dim3A {strides = array<i32>} : memref<16x256xf32, #tpu.memory_space<vmem>>, vector<1x256xf32>,
      %while3A = arith.constant 0 : i32
      %while3A_57 = arith.constant 0 : i32
      %while3A_58 = arith.subi %max3A_7, %while3A : i32
      %while3A_59 = arith.addi %while3A, %while3A_58 : i32
      %while3A_60 = arith.constant 1 : i32
      %while3A_61 = arith.divsi %while3A_58, %while3A_60 : i32
      %while3A_62 = arith.muli %while3A_61, %while3A_60 : i32
      %while3A_63 = arith.addi %while3A, %while3A_62 : i32
      %while3A_64 = arith.constant 1 : i32
      %while3A_65 = scf.for %while3A_68 = %while3A to %while3A_63 step %while3A_64 iter_args(%while3A_69 = %while3A_57) -> (i32)  : i32 {
        %mul3A = arith.constant 2048 : i32
        %mul3A_70 = arith.muli %rem3A_0, %mul3A : i32
        %mul3A_71 = arith.constant 256 : i32
        %mul3A_72 = arith.muli %while3A_68, %mul3A_71 : i32
        %add3A_73 = arith.addi %mul3A_70, %mul3A_72 : i32
        %mul3A_74 = arith.constant 256 : i32
        %mul3A_75 = arith.muli %while3A_68, %mul3A_74 : i32
        %add3A_76 = vector.broadcast %mul3A_75 : i32 to vector<256x1xi32>
        %add3A_77 = arith.addi %iota3A, %add3A_76 : vector<256x1xi32>
        %lt3A_78 = vector.broadcast %get3A_3 : i32 to vector<256x1xi32>
        %lt3A_79 = arith.cmpi slt, %add3A_77, %lt3A_78 : vector<256x1xi32>
        %get3A_80 = arith.index_cast %add3A_73 : i32 to index
        %get3A_81 = arith.constant 0 : index
        %get3A_82 = vector.load %arg18[%get3A_80, %get3A_81] : memref<32768x256xbf16, #tpu.memory_space<vmem>>, vector<256x256xbf16>
        %convert_element_type3A_83 = arith.extf %get3A_82 : vector<256x256xbf16> to vector<256x256xf32>
        %get3A_84 = arith.constant 0 : index
        %get3A_85 = arith.constant 0 : index
        %get3A_86 = vector.load %arg28[%get3A_84, %get3A_85] : memref<1x256xf32, #tpu.memory_space<vmem>>, vector<1x256xf32>
        %mul3A_87 = vector.broadcast %get3A_86 : vector<1x256xf32> to vector<256x256xf32>
        %mul3A_88 = arith.mulf %convert_element_type3A_83, %mul3A_87 : vector<256x256xf32>
        %get3A_89 = arith.constant 0 : index
        %get3A_90 = arith.constant 0 : index
        %get3A_91 = vector.load %arg29[%get3A_89, %get3A_90] : memref<1x256xf32, #tpu.memory_space<vmem>>, vector<1x256xf32>
        %add3A_92 = vector.broadcast %get3A_91 : vector<1x256xf32> to vector<256x256xf32>
        %add3A_93 = arith.addf %mul3A_88, %add3A_92 : vector<256x256xf32>
        %max3A_94 = arith.constant 0.000000e+00 : f32
        %max3A_95 = vector.broadcast %max3A_94 : f32 to vector<256x256xf32>
        %max3A_96 = arith.maximumf %add3A_93, %max3A_95 : vector<256x256xf32>
        %convert_element_type3A_97 = arith.truncf %max3A_96 : vector<256x256xf32> to vector<256x256xbf16>
        %get3A_98 = arith.constant 0 : index
        %get3A_99 = arith.constant 0 : index
        %get3A_100 = vector.load %arg13[%get3A_98, %get3A_99] : memref<256x256xf32, #tpu.memory_space<vmem>>, vector<256x256xf32>
        %convert_element_type3A_101 = arith.truncf %get3A_100 : vector<256x256xf32> to vector<256x256xbf16>
        %dot_general3A = arith.constant dense<0.000000e+00> : vector<256x256xf32>
        %dot_general3A_102 = tpu.matmul %convert_element_type3A_97, %convert_element_type3A_101, %dot_general3A {dimension_numbers = #tpu.dot_dimension_numbers<[1], [0], [0], [1], [0, 0, 1, 1], [], []>, transpose_lhs_hint = false} : vector<256x256xbf16>, vector<256x256xbf16>, vector<256x256xf32> -> vector<256x256xf32>
        %get3A_103 = arith.constant 0 : index
        %get3A_104 = arith.constant 0 : index
        %get3A_105 = vector.load %arg14[%get3A_103, %get3A_104] : memref<1x256xf32, #tpu.memory_space<vmem>>, vector<1x256xf32>
        %add3A_106 = vector.broadcast %get3A_105 : vector<1x256xf32> to vector<256x256xf32>
        %add3A_107 = arith.addf %dot_general3A_102, %add3A_106 : vector<256x256xf32>
        %jit3A_108 = arith.constant 0.000000e+00 : f32
        %broadcast_in_dim3A_109 = vector.shape_cast %lt3A_79 : vector<256x1xi1> to vector<256x1xi1>
        %broadcast_in_dim3A_110 = vector.broadcast %broadcast_in_dim3A_109 : vector<256x1xi1> to vector<256x256xi1>
        %broadcast_in_dim3A_111 = vector.broadcast %jit3A_108 : f32 to vector<256x256xf32>
        %select_n3A_112 = arith.select %broadcast_in_dim3A_110, %add3A_107, %broadcast_in_dim3A_111 : vector<256x256xi1>, vector<256x256xf32>
        %reduce_max3A = arith.constant dense<0xFF800000> : vector<256xf32>
        %reduce_max3A_113 = vector.multi_reduction <maximumf>, %select_n3A_112, %reduce_max3A [0] : vector<256x256xf32> to vector<256xf32>
        %broadcast_in_dim3A_114 = vector.shape_cast %reduce_max3A_113 : vector<256xf32> to vector<1x256xf32>
        %get3A_115 = arith.index_cast %rem3A_0 : i32 to index
        %get3A_116 = arith.constant 0 : index
        %get3A_117 = vector.load %arg15[%get3A_115, %get3A_116] : memref<16x256xf32, #tpu.memory_space<vmem>>, vector<1x256xf32>
        %max3A_118 = arith.maximumf %get3A_117, %broadcast_in_dim3A_114 : vector<1x256xf32>
        %swap3A_119 = arith.index_cast %rem3A_0 : i32 to index
        %swap3A_120 = arith.constant 0 : index
        %swap3A_121 = vector.load %arg15[%swap3A_119, %swap3A_120] : memref<16x256xf32, #tpu.memory_space<vmem>>, vector<1x256xf32>
        tpu.vector_store %arg15[%swap3A_119, %swap3A_120], %max3A_118 {strides = array<i32>} : memref<16x256xf32, #tpu.memory_space<vmem>>, vector<1x256xf32>,
        %while3A_122 = arith.constant 0 : i32
        scf.yield %while3A_122 : i32
      }
      %while3A_66 = arith.constant 1 : i32
      %while3A_67 = scf.for %while3A_68 = %while3A_63 to %while3A_59 step %while3A_66 iter_args(%while3A_69 = %while3A_65) -> (i32)  : i32 {
        %mul3A = arith.constant 2048 : i32
        %mul3A_70 = arith.muli %rem3A_0, %mul3A : i32
        %mul3A_71 = arith.constant 256 : i32
        %mul3A_72 = arith.muli %while3A_68, %mul3A_71 : i32
        %add3A_73 = arith.addi %mul3A_70, %mul3A_72 : i32
        %mul3A_74 = arith.constant 256 : i32
        %mul3A_75 = arith.muli %while3A_68, %mul3A_74 : i32
        %add3A_76 = vector.broadcast %mul3A_75 : i32 to vector<256x1xi32>
        %add3A_77 = arith.addi %iota3A, %add3A_76 : vector<256x1xi32>
        %lt3A_78 = vector.broadcast %get3A_3 : i32 to vector<256x1xi32>
        %lt3A_79 = arith.cmpi slt, %add3A_77, %lt3A_78 : vector<256x1xi32>
        %get3A_80 = arith.index_cast %add3A_73 : i32 to index
        %get3A_81 = arith.constant 0 : index
        %get3A_82 = vector.load %arg18[%get3A_80, %get3A_81] : memref<32768x256xbf16, #tpu.memory_space<vmem>>, vector<256x256xbf16>
        %convert_element_type3A_83 = arith.extf %get3A_82 : vector<256x256xbf16> to vector<256x256xf32>
        %get3A_84 = arith.constant 0 : index
        %get3A_85 = arith.constant 0 : index
        %get3A_86 = vector.load %arg28[%get3A_84, %get3A_85] : memref<1x256xf32, #tpu.memory_space<vmem>>, vector<1x256xf32>
        %mul3A_87 = vector.broadcast %get3A_86 : vector<1x256xf32> to vector<256x256xf32>
        %mul3A_88 = arith.mulf %convert_element_type3A_83, %mul3A_87 : vector<256x256xf32>
        %get3A_89 = arith.constant 0 : index
        %get3A_90 = arith.constant 0 : index
        %get3A_91 = vector.load %arg29[%get3A_89, %get3A_90] : memref<1x256xf32, #tpu.memory_space<vmem>>, vector<1x256xf32>
        %add3A_92 = vector.broadcast %get3A_91 : vector<1x256xf32> to vector<256x256xf32>
        %add3A_93 = arith.addf %mul3A_88, %add3A_92 : vector<256x256xf32>
        %max3A_94 = arith.constant 0.000000e+00 : f32
        %max3A_95 = vector.broadcast %max3A_94 : f32 to vector<256x256xf32>
        %max3A_96 = arith.maximumf %add3A_93, %max3A_95 : vector<256x256xf32>
        %convert_element_type3A_97 = arith.truncf %max3A_96 : vector<256x256xf32> to vector<256x256xbf16>
        %get3A_98 = arith.constant 0 : index
        %get3A_99 = arith.constant 0 : index
        %get3A_100 = vector.load %arg13[%get3A_98, %get3A_99] : memref<256x256xf32, #tpu.memory_space<vmem>>, vector<256x256xf32>
        %convert_element_type3A_101 = arith.truncf %get3A_100 : vector<256x256xf32> to vector<256x256xbf16>
        %dot_general3A = arith.constant dense<0.000000e+00> : vector<256x256xf32>
        %dot_general3A_102 = tpu.matmul %convert_element_type3A_97, %convert_element_type3A_101, %dot_general3A {dimension_numbers = #tpu.dot_dimension_numbers<[1], [0], [0], [1], [0, 0, 1, 1], [], []>, transpose_lhs_hint = false} : vector<256x256xbf16>, vector<256x256xbf16>, vector<256x256xf32> -> vector<256x256xf32>
        %get3A_103 = arith.constant 0 : index
        %get3A_104 = arith.constant 0 : index
        %get3A_105 = vector.load %arg14[%get3A_103, %get3A_104] : memref<1x256xf32, #tpu.memory_space<vmem>>, vector<1x256xf32>
        %add3A_106 = vector.broadcast %get3A_105 : vector<1x256xf32> to vector<256x256xf32>
        %add3A_107 = arith.addf %dot_general3A_102, %add3A_106 : vector<256x256xf32>
        %jit3A_108 = arith.constant 0.000000e+00 : f32
        %broadcast_in_dim3A_109 = vector.shape_cast %lt3A_79 : vector<256x1xi1> to vector<256x1xi1>
        %broadcast_in_dim3A_110 = vector.broadcast %broadcast_in_dim3A_109 : vector<256x1xi1> to vector<256x256xi1>
        %broadcast_in_dim3A_111 = vector.broadcast %jit3A_108 : f32 to vector<256x256xf32>
        %select_n3A_112 = arith.select %broadcast_in_dim3A_110, %add3A_107, %broadcast_in_dim3A_111 : vector<256x256xi1>, vector<256x256xf32>
        %reduce_max3A = arith.constant dense<0xFF800000> : vector<256xf32>
        %reduce_max3A_113 = vector.multi_reduction <maximumf>, %select_n3A_112, %reduce_max3A [0] : vector<256x256xf32> to vector<256xf32>
        %broadcast_in_dim3A_114 = vector.shape_cast %reduce_max3A_113 : vector<256xf32> to vector<1x256xf32>
        %get3A_115 = arith.index_cast %rem3A_0 : i32 to index
        %get3A_116 = arith.constant 0 : index
        %get3A_117 = vector.load %arg15[%get3A_115, %get3A_116] : memref<16x256xf32, #tpu.memory_space<vmem>>, vector<1x256xf32>
        %max3A_118 = arith.maximumf %get3A_117, %broadcast_in_dim3A_114 : vector<1x256xf32>
        %swap3A_119 = arith.index_cast %rem3A_0 : i32 to index
        %swap3A_120 = arith.constant 0 : index
        %swap3A_121 = vector.load %arg15[%swap3A_119, %swap3A_120] : memref<16x256xf32, #tpu.memory_space<vmem>>, vector<1x256xf32>
        tpu.vector_store %arg15[%swap3A_119, %swap3A_120], %max3A_118 {strides = array<i32>} : memref<16x256xf32, #tpu.memory_space<vmem>>, vector<1x256xf32>,
        %while3A_122 = arith.constant 0 : i32
        scf.yield %while3A_122 : i32
      }
    } else {
    }
    return
  }
  func.func @transform_0(%arg0: i32, %arg1: memref<16x16xi32, #tpu.memory_space<smem>>) -> (i32, i32) {
    %min3A = arith.constant 15 : i32
    %min3A_0 = arith.minsi %arg0, %min3A : i32
    %c0_i32 = arith.constant 0 : i32
    %c0_i32_1 = arith.constant 0 : i32
    return %min3A_0, %c0_i32 : i32, i32
  }
  func.func @transform_1(%arg0: i32, %arg1: memref<16x16xi32, #tpu.memory_space<smem>>) -> (i32, i32) {
    %c0_i32 = arith.constant 0 : i32
    %c0_i32_0 = arith.constant 0 : i32
    %c0_i32_1 = arith.constant 0 : i32
    return %c0_i32, %c0_i32_0 : i32, i32
  }
  func.func @transform_2(%arg0: i32, %arg1: memref<16x16xi32, #tpu.memory_space<smem>>) -> (i32, i32) {
    %c0_i32 = arith.constant 0 : i32
    %c0_i32_0 = arith.constant 0 : i32
    %c0_i32_1 = arith.constant 0 : i32
    return %c0_i32, %c0_i32_0 : i32, i32
  }
  func.func @transform_3(%arg0: i32, %arg1: memref<16x16xi32, #tpu.memory_space<smem>>) -> (i32, i32) {
    %c0_i32 = arith.constant 0 : i32
    %c0_i32_0 = arith.constant 0 : i32
    %c0_i32_1 = arith.constant 0 : i32
    return %c0_i32, %c0_i32_0 : i32, i32
  }
  func.func @transform_4(%arg0: i32, %arg1: memref<16x16xi32, #tpu.memory_space<smem>>) -> (i32, i32) {
    %c0_i32 = arith.constant 0 : i32
    %c0_i32_0 = arith.constant 0 : i32
    %c0_i32_1 = arith.constant 0 : i32
    return %c0_i32, %c0_i32_0 : i32, i32
  }
  func.func @transform_5(%arg0: i32, %arg1: memref<16x16xi32, #tpu.memory_space<smem>>) -> (i32, i32) {
    %c0_i32 = arith.constant 0 : i32
    %c0_i32_0 = arith.constant 0 : i32
    %c0_i32_1 = arith.constant 0 : i32
    return %c0_i32, %c0_i32_0 : i32, i32
  }
  func.func @transform_6(%arg0: i32, %arg1: memref<16x16xi32, #tpu.memory_space<smem>>) -> (i32, i32) {
    %c0_i32 = arith.constant 0 : i32
    %c0_i32_0 = arith.constant 0 : i32
    %c0_i32_1 = arith.constant 0 : i32
    return %c0_i32, %c0_i32_0 : i32, i32
  }
  func.func @transform_7(%arg0: i32, %arg1: memref<16x16xi32, #tpu.memory_space<smem>>) -> (i32, i32) {
    %c0_i32 = arith.constant 0 : i32
    %c0_i32_0 = arith.constant 0 : i32
    %c0_i32_1 = arith.constant 0 : i32
    return %c0_i32, %c0_i32_0 : i32, i32
  }
  func.func @transform_8(%arg0: i32, %arg1: memref<16x16xi32, #tpu.memory_space<smem>>) -> (i32, i32) {
    %c0_i32 = arith.constant 0 : i32
    %c0_i32_0 = arith.constant 0 : i32
    %c0_i32_1 = arith.constant 0 : i32
    return %c0_i32, %c0_i32_0 : i32, i32
  }
  func.func @transform_9(%arg0: i32, %arg1: memref<16x16xi32, #tpu.memory_space<smem>>) -> (i32, i32) {
    %c0_i32 = arith.constant 0 : i32
    %c0_i32_0 = arith.constant 0 : i32
    %c0_i32_1 = arith.constant 0 : i32
    return %c0_i32, %c0_i32_0 : i32, i32
  }
  func.func @transform_10(%arg0: i32, %arg1: memref<16x16xi32, #tpu.memory_space<smem>>) -> (i32, i32) {
    %c0_i32 = arith.constant 0 : i32
    %c0_i32_0 = arith.constant 0 : i32
    %c0_i32_1 = arith.constant 0 : i32
    return %c0_i32, %c0_i32_0 : i32, i32
  }
  func.func @transform_11(%arg0: i32, %arg1: memref<16x16xi32, #tpu.memory_space<smem>>) -> (i32, i32) {
    %c0_i32 = arith.constant 0 : i32
    %c0_i32_0 = arith.constant 0 : i32
    %c0_i32_1 = arith.constant 0 : i32
    return %c0_i32, %c0_i32_0 : i32, i32
  }
  func.func @transform_12(%arg0: i32, %arg1: memref<16x16xi32, #tpu.memory_space<smem>>) -> (i32, i32) {
    %c0_i32 = arith.constant 0 : i32
    %c0_i32_0 = arith.constant 0 : i32
    %c0_i32_1 = arith.constant 0 : i32
    return %c0_i32, %c0_i32_0 : i32, i32
  }
  func.func @transform_13(%arg0: i32, %arg1: memref<16x16xi32, #tpu.memory_space<smem>>) -> (i32, i32) {
    %c0_i32 = arith.constant 0 : i32
    %c0_i32_0 = arith.constant 0 : i32
    %c0_i32_1 = arith.constant 0 : i32
    return %c0_i32, %c0_i32_0 : i32, i32
  }
}

</mosaic_0001>

<sc_bundles>
// kernel: kernel.4.cloned.1.call-start
scs
__scs_entry_jumppad:
0x0: {  	(pc) =	sbr.rel $0x88, $3  }
0x1: {  	(tag) =	ssettag $0x0;
	lr =	simm.s32 $0x1  }
0x2: {  	[smem:$0x3F93] =	sst lr;
	_ =	strace $0xD0000000  }
0x3: {  	_ = 	snop  }
0x4: {  	_ = 	snop  }
0x5: {  	_ = 	snop  }
0x6: {  	_ = 	snop  }
0x7: {  	_ = 	snop  }
__scs_overlays_trampoline_lowered:
0x8: {  	[smem:$0x3FA2] =	sst s0  }
0x9: {  	[smem:$0x3FA3] =	sst s1  }
0xa: {  	[smem:$0x3FA4] =	sst s2  }
0xb: {  	[smem:$0x3FA5] =	sst s3  }
0xc: {  	[smem:$0x3FA6] =	sst s4  }
0xd: {  	[smem:$0x3FA7] =	sst s5  }
0xe: {  	[smem:$0x3FA8] =	sst s6  }
0xf: {  	[smem:$0x3FA9] =	sst s7  }
0x10: {  	[smem:$0x3FAA] =	sst s8  }
0x11: {  	[smem:$0x3FAB] =	sst s9;
	s0 =	simm.s32 @!p0 $0x0  }
0x12: {  	s1 =	sld [smem:$0x3F91];
	s0 =	simm.s32 @p0 $0x1  }
0x13: {  	[smem:$0x3FAC] =	sst s0;
	s0 =	simm.s32 @!p1 $0x0  }
0x14: {  	s2 =	sld [smem:$0x3F90];
	s0 =	simm.s32 @p1 $0x1  }
0x15: {  	[smem:$0x3FAD] =	sst s0;
	s0 =	simm.s32 @!p2 $0x0  }
0x16: {  	s3 =	sld [smem:$0x3FDB];
	s0 =	simm.s32 @p2 $0x1  }
0x17: {  	s4 =	simm.s32 $0x1BF5;
	[smem:$0x3FAF] =	sst s0  }
0x18: {  	s0 =	sld [smem:$0x3F92];
	_ =	swait.ge [sflag:s4], $0x0  }
0x19: {  	s7 =	sld [smem:$0x3F93]  }
0x1a: {  	s8 =	sadd.s32 $0xFFFFE003, lr  }
0x1b: {  	s9 =	sadd.s32 $0xFFFFFEF7, lr;
	s5 =	simm.s32 $0xFFFFFFFF;
	p2 =	slt.u32 s8, $0xFFFFF086  }
0x1c: {  	p1 =	slt.u32 s9, $0xF7A;
	s5 =	simm.s32 @!p2 $0x0  }
0x1d: {  	s5 =	simm.s32 @p1 $0x1;
	p0 =	seq.s32 s7, s2  }
0x1e: {  	s7 =	smul.u32 @!p0 $0xF7A, s2;
	p2 =	seq.s32 @!p0 s5, $0x0  }
0x1f: {  	s9 =	smul.u32 $0xF7A, s1;
	s8 =	simm.s32 @!p0 $0x1BF5;
	p2 =	por !p2, p0  }
0x20: {  	[sflag:s8] =	ssyncset.s32 @!p0 $0xFFFFF086;
	s6 =	sadd.s32 @!p0 s3, s7;
	s7 =	simm.s32 @!p0 $0x108  }
0x21: {  	s3 =	sadd.s32 s3, s9;
	s6 =	sadd.s32 @!p0 $0x88, s6;
	s7 =	simm.s32 @p2 $0x1082  }
0x22: {  	[simem:s7], [sflag:s8] =	dma.local @!p0 [hbm:s6], $0xF7A  }
0x23: {  	s9 =	sor.u32 $0xD0000000, s2;
	s6 =	simm.s32 $0x108;
	_ =	swait.ge @!p0 [sflag:s8], $0x0  }
0x24: {  	s3 =	sadd.s32 $0x88, s3;
	s6 =	simm.s32 @!p1 $0x1082;
	[sflag:s4] =	ssyncset.s32 $0xFFFFF086  }
0x25: {  	[simem:s6], [sflag:s4] =	dma.local [hbm:s3], $0xF7A  }
0x26: {  	[smem:$0x3F93] =	sst s1;
	(tag) =	ssettag s2;
	_ =	strace s9  }
0x27: {  	s1 =	sld [smem:$0x3FA3]  }
0x28: {  	s2 =	sld [smem:$0x3FA4]  }
0x29: {  	s4 =	sld [smem:$0x3FA6]  }
0x2a: {  	p0 =	seq.s32 s5, $0x0;
	s5 =	sld [smem:$0x3FA7]  }
0x2b: {  	s6 =	sld [smem:$0x3FA8]  }
0x2c: {  	s7 =	sld [smem:$0x3FA9]  }
0x2d: {  	s3 =	simm.s32 $0x108;
	s8 =	sld [smem:$0x3FAA]  }
0x2e: {  	s3 =	simm.s32 @!p0 $0x1082;
	s9 =	sld [smem:$0x3FAB]  }
0x2f: {  	lr =	sadd.s32 s0, s3;
	s0 =	sld [smem:$0x3FA2]  }
0x30: {  	s3 =	sld [smem:$0x3FA5]  }
0x31: {  	[smem:$0x3FAE] =	sst s10  }
0x32: {  	s10 =	sld [smem:$0x3FAC];
	_ =	sdelay $0x3  }
0x33: {  	p0 =	seq.s32 s10, $0x1;
	s10 =	sld [smem:$0x3FAE];
	_ =	sdelay $0x3  }
0x34: {  	[smem:$0x3FAE] =	sst s10  }
0x35: {  	s10 =	sld [smem:$0x3FAD];
	_ =	sdelay $0x3  }
0x36: {  	p1 =	seq.s32 s10, $0x1;
	s10 =	sld [smem:$0x3FAE];
	_ =	sdelay $0x3  }
0x37: {  	[smem:$0x3FAE] =	sst s10  }
0x38: {  	s10 =	sld [smem:$0x3FAF]  }
0x39: {  	_ = 	snop;
	(pc) =	sbr.ind lr, $3  }
0x3a: {  	_ = 	snop  }
0x3b: {  	_ = 	snop  }
0x3c: {  	p2 =	seq.s32 s10, $0x1;
	s10 =	sld [smem:$0x3FAE]  }
0x3d: {  	_ =	shalt  }
0x3e: {  	_ =	shalt  }
0x3f: {  	_ =	shalt  }
0x40: {  	_ =	shalt  }
0x41: {  	_ =	shalt  }
0x42: {  	_ =	shalt  }
0x43: {  	_ =	shalt  }
0x44: {  	_ =	shalt  }
0x45: {  	_ =	shalt  }
0x46: {  	_ =	shalt  }
0x47: {  	_ =	shalt  }
0x48: {  	_ =	shalt  }
0x49: {  	_ =	shalt  }
0x4a: {  	_ =	shalt  }
0x4b: {  	_ =	shalt  }
0x4c: {  	_ =	shalt  }
0x4d: {  	_ =	shalt  }
0x4e: {  	_ =	shalt  }
0x4f: {  	_ =	shalt  }
0x50: {  	_ =	shalt  }
0x51: {  	_ =	shalt  }
0x52: {  	_ =	shalt  }
0x53: {  	_ =	shalt  }
0x54: {  	_ =	shalt  }
0x55: {  	_ =	shalt  }
0x56: {  	_ =	shalt  }
0x57: {  	_ =	shalt  }
0x58: {  	_ =	shalt  }
0x59: {  	_ =	shalt  }
0x5a: {  	_ =	shalt  }
0x5b: {  	_ =	shalt  }
0x5c: {  	_ =	shalt  }
0x5d: {  	_ =	shalt  }
0x5e: {  	_ =	shalt  }
0x5f: {  	_ =	shalt  }
0x60: {  	_ =	shalt  }
0x61: {  	_ =	shalt  }
0x62: {  	_ =	shalt  }
0x63: {  	_ =	shalt  }
0x64: {  	_ =	shalt  }
0x65: {  	_ =	shalt  }
0x66: {  	_ =	shalt  }
0x67: {  	_ =	shalt  }
0x68: {  	_ =	shalt  }
0x69: {  	_ =	shalt  }
0x6a: {  	_ =	shalt  }
0x6b: {  	_ =	shalt  }
0x6c: {  	_ =	shalt  }
0x6d: {  	_ =	shalt  }
0x6e: {  	_ =	shalt  }
0x6f: {  	_ =	shalt  }
0x70: {  	_ =	shalt  }
0x71: {  	_ =	shalt  }
0x72: {  	_ =	shalt  }
0x73: {  	_ =	shalt  }
0x74: {  	_ =	shalt  }
0x75: {  	_ =	shalt  }
0x76: {  	_ =	shalt  }
0x77: {  	_ =	shalt  }
0x78: {  	_ =	shalt  }
0x79: {  	_ =	shalt  }
0x7a: {  	_ =	shalt  }
0x7b: {  	_ =	shalt  }
0x7c: {  	_ =	shalt  }
0x7d: {  	_ =	shalt  }
0x7e: {  	_ =	shalt  }
0x7f: {  	_ =	shalt  }
0x80: {  	_ =	shalt  }
0x81: {  	_ =	shalt  }
0x82: {  	_ =	shalt  }
0x83: {  	_ =	shalt  }
0x84: {  	_ =	shalt  }
0x85: {  	_ =	shalt  }
0x86: {  	_ =	shalt  }
0x87: {  	_ =	shalt  }
.Lfunc_end0:
.L_simem_size_0:
called_computation_lowered:
.L_overlay_start_0:
0x88: {  	s2 =	sld [smem:$0x3FD9]  }
0x89: {  	s3 =	sld [smem:$0x3FFE];
	_ =	sdelay $0x1  }
0x8a: {  	s1 =	srdreg.scid  }
0x8b: {  	s0 =	sand.u32 $0x1, s1  }
0x8c: {  	s17 =	sshll.u32 s0, $0xA;
	s2 =	sadd.s32 s3, s2  }
0x8d: {  	s2 =	sadd.s32 s2, s17  }
0x8e: {  	[smem:$0x3FBA] =	sst s2  }
0x8f: {  	_ = 	snop  }
0x90: {  	s2 =	sld [smem:$0x3FD0];
	(tm) =	ssettm $0x1  }
0x91: {  	s18 =	sld [smem:$0x3FFB];
	_ =	sdelay $0x3  }
0x92: {  	_ =	strace s18  }
0x93: {  	s3 =	sld [smem:$0x3FFC];
	_ =	sdelay $0x3  }
0x94: {  	_ =	strace s3  }
0x95: {  	s3 =	sld [smem:$0x3FFD];
	_ =	sdelay $0x3  }
0x96: {  	_ =	strace s3  }
0x97: {  	_ =	strace $0x8FFFFFFF  }
0x98: {  	s19 =	sld [smem:$0x3FDB];
	_ =	sdelay $0x1  }
0x99: {  	s4 =	simm.s32 $_scs_section_size  }
0x9a: {  	s5 =	simm.s32 $_size__tile_overlayer_lowered;
	s6 =	simm.s32 $_tile_overlayer_lowered  }
0x9b: {  	s22 =	simm.s32 $0x1BFF;
	s21 =	sshll.u32 s6, $0x1;
	s3 =	sadd.s32 s4, s19  }
0x9c: {  	s7 =	simm.s32 $0x0;
	s20 =	sshll.u32 s5, $0x1;
	s5 =	sadd.s32 s21, s3  }
0x9d: {  	[timem:s7], [sflag:s22] =	dma.local [hbm:s5], s20  }
0x9e: {  	_ =	swait.ge [sflag:s22], s20  }
0x9f: {  	s4 =	ssub.s32 $0x0, s20;
	[sflag:s22] =	ssyncset.done $0x0  }
0xa0: {  	[sflag:s22] =	ssyncadd.s32 s4;
	_ =	sdelay $0x1  }
0xa1: {  	s23 =	simm.s32 $0x1B8B  }
0xa2: {  	_ =	swait.ge [sflag:s23], $0x1  }
0xa3: {  	[sflag:s23] =	ssyncset.done $0x0  }
0xa4: {  	s25 =	simm.s32 $0x1B8E;
	s24 =	sld [smem:$0x3FFE];
	[sflag:s23] =	ssyncadd.s32 $0xFFFFFFFF  }
0xa5: {  	s26 =	simm.s32 $execute0_lowered;
	[smem:$0x3FD2] =	sst s25  }
0xa6: {  	s5 =	sshll.u32 s26, $0x1;
	_ =	strace $0x80000046;
	[dreg:$0x1] =	wrdreg $0xFFFFFFFF  }
0xa7: {  	s28 =	simm.s32 $_size_execute0_lowered;
	s3 =	sadd.s32 s3, s5;
	[dreg:$0x0] =	wrdreg $0x0  }
0xa8: {  	s5 =	sshll.u32 s28, $0x1;
	[dreg:$0x2] =	wrdreg s3  }
0xa9: {  	[dreg:$0x3] =	wrdreg s5  }
0xaa: {  	[dreg:$0x4] =	wrdreg $0xC0  }
0xab: {  	_ =	task [dreg:s7], $0x5FFFF  }
0xac: {  	[dreg:$0x1] =	wrdreg $0xFFFFFFFF  }
0xad: {  	[dreg:$0x0] =	wrdreg $0x60  }
0xae: {  	[dreg:$0x2] =	wrdreg s24  }
0xaf: {  	[dreg:$0x3] =	wrdreg s2  }
0xb0: {  	[dreg:$0x4] =	wrdreg $0x9  }
0xb1: {  	_ =	task.clear_ibuf [dreg:s7], $0x5FFFF;
	_ =	strace $0x90000046  }
0xb2: {  	s29 =	simm.s32 $0x9;
	_ =	strace $0x80000048  }
0xb3: {  	_ =	swait.ge [sflag:s29], $0x1  }
0xb4: {  	[sflag:s29] =	ssyncadd.s32 $0xFFFFFFFF  }
0xb5: {  	_ =	strace $0x90000048  }
0xb6: {  	_ =	sfence  }
0xb7: {  	s30 =	sld [smem:$0x0];
	_ =	sdelay $0x2  }
0xb8: {  	s31 =	sshll.u32 s1, $0xD;
	s1 =	sshrl.u32 s1, $0x2  }
0xb9: {  	s3 =	sand.u32 $0x4000, s31;
	s1 =	sadd.s32 s1, s30  }
0xba: {  	s0 =	sor.u32 s3, s0;
	s1 =	sshll.u32 s1, $0x11  }
0xbb: {  	s0 =	sor.u32 s1, s0  }
0xbc: {  	s0 =	sadd.s32 $0x8F2B, s0  }
0xbd: {  	[sflag:s0] =	ssyncadd.remote.s32 $0x1  }
0xbe: {  	_ =	sfence.sel $0xFFFF  }
0xbf: {  	[dreg:$0x0] =	wrdreg $0xFFFFFFFF;
	(pc) =	sbr.abs _section_cstart, $3  }
0xc0: {  	[dreg:$0x1] =	wrdreg $0xFFFFFFFF  }
0xc1: {  	_ =	task.clear_ibuf [dreg:s7], $0x2FFFF;
	_ =	strace $0x9FFFFFFF  }
0xc2: {  	(tm) =	ssettm $0x7FFFFFFF  }
0xc3: {  	_ =	shalt  }
tec
execute0_lowered:
.L_overlay_start_1:
0x0: {  	(tag) =	ssettag $0x1  }
0x1: {  	s1 =	stileid.u32  }
0x2: {  	p0 =	sgt.u32 s1, $0x7  }
.Ltmp0:
0x3: {  	_ = 	snop;
	(pc) =	sbr.rel @p0 .LBB2_7-.Ltmp0, $4  }
0x4: {  	s4 =	rddreg [dreg:$0x0]  }
0x5: {  	s5 =	rddreg [dreg:$0x1];
	s2 =	simm.s32 $0x0  }
0x6: {  	[smem:$0x7FF] =	sst s2  }
0x7: {  	s0 =	rddreg [dreg:$0x2];
	_ =	strace $0x80000047  }
0x8: {  	v0 =	vimm.s32 $0xEDCBA987  }
0x9: {  	v1 =	vimm.s32 $0x65432100;
	v0 =	vunpack.c.l.s4.s8 v0  }
0xa: {  	v2 =	vimm.s32 $0xDCBA9876;
	v1 =	vunpack.c.l.s4.s8 v1  }
0xb: {  	vm0 =	vcmask $0x300;
	v7 =	vimm.s32 $0xFFFFFFFF;
	v0 =	vunpack.c.0.s8.s32 v0  }
0xc: {  	v4 =	vimm.s32 $0xE40000;
	v5 =	vimm.s32 $0x32100000;
	v1 =	vunpack.c.0.s8.s32 v1  }
0xd: {  	vm13 =	vcmask $0x700;
	v8 =	vimm.s32 $0x7060504;
	v0 =	vand.u32 $0xF, v0  }
0xe: {  	v2 =	vunpack.c.l.s4.s8 v2;
	v0 =	vcombine.low v1, v0;
	v1 =	vimm.s32 $0x54321000  }
0xf: {  	s3 =	srdreg.scid;
	s26 =	sshll.u32 s1, $0x1;
	s9 =	sadd.s32 $0x10E00, s4;
	v4 =	vunpack.c.l.s2.s4 v4;
	v3 =	vunpack.c.l.s4.s8 v1;
	v1 =	vimm.s32 $0xBA987654  }
0x10: {  	s30 =	sshll.u32 s1, $0xC;
	vm14 =	vcmask $0x3F30;
	s13 =	simm.s32 $0x9000;
	s6 =	sand.u32 $0x1, s3;
	v5 =	vunpack.c.l.s4.s8 v5;
	v6 =	vunpack.c.l.s4.s8 v1  }
0x11: {  	vm15 =	vcmask $0xF00;
	s14 =	simm.s32 $0x0;
	s3 =	sadd.s32 $0xE00, s4;
	s7 =	sor.u32 s6, s26;
	v2 =	vunpack.c.0.s8.s32 v2;
	v4 =	vunpack.c.l.s4.s8 v4  }
0x12: {  	s29 =	ssub.s32 $0x2, s6;
	s31 =	sshll.u32 s6, $0xB;
	s8 =	sshll.u32 s7, $0xC;
	v5 =	vunpack.c.0.s8.s32 v5;
	v3 =	vunpack.c.0.s8.s32 v3;
	v6 =	vunpack.c.0.s8.s32 v6  }
0x13: {  	s12 =	sshll.u32 s7, $0xB;
	s10 =	sshll.u32 s7, $0x1;
	s11 =	sshrl.u32 s29, $0x1;
	v2 =	vand.u32 $0xF, v2;
	v9 =	vunpack.c.0.s8.s32 v4;
	v1 =	vsel vm0, $0x0, v7  }
0x14: {  	s7 =	sshll.u32 s7, $0x8;
	s28 =	sadd.s32 s8, s4;
	s5 =	sadd.s32 s5, s10;
	v2 =	vcombine.low v3, v2;
	v3 =	vsel vm13, $0x0, v7;
	v6 =	vand.u32 $0xF, v6  }
0x15: {  	s8 =	ssub.s32 s29, s11;
	s6 =	sadd.s32 s9, s7;
	s9 =	simm.s32 $0x2;
	v4 =	vcombine.low v5, v6;
	v6 =	vunpack.c.0.s8.s32 v8;
	v5 =	vlaneseq.u32  }
0x16: {  	s10 =	simm.s32 $0x800;
	s11 =	simm.s32 $0x1000;
	s4 =	sadd.s32 $0x11E00, s28;
	v7 =	vsel vm15, $0x0, v7;
	v8 =	vand.u32 $0x3, v9;
	v9 =	vshrl.u32 v5, $0x3  }
0x17: {  	s7 =	smax.u32 s8, $0x1;
	s8 =	sor.u32 s31, s30;
	v6 =	vsel vm14, v6, v8;
	v8 =	vmov s12;
	v9 =	vmul.u32 $0xFFFFFFFF, v9;
	s12 =	simm.s32 $0x1  }
.LBB2_2:
0x18: {  	s16 =	simm.s32 $0x0  }
0x19: {  	[tilespmem:s16], [sflag:$0x2] =	stream.linear.gather [hbm4b:s6+s16], $0x800, $0x38;
	[tilespmem:$0x9010] =	vst v63  }
0x1a: {  	_ =	swait.ge [sflag:s9], $0x800  }
0x1b: {  	[sflag:s9] =	ssyncset.done $0x0  }
0x1c: {  	s15 =	simm.s32 $0x40;
	s17 =	simm.s32 $0x0;
	[sflag:s9] =	ssyncadd.s32 $0xFFFFF800  }
.LBB2_3:
0x1d: {  	p0 =	sne.s32 s15, $0x1FC0;
	[tilespmem:s17+$0x800] =	vst v8;
	s17 =	smov.u32 s15;
	s15 =	sadd.s32 $0x40, s15  }
.Ltmp1:
0x1e: {  	(pc) =	sbr.rel @p0 .LBB2_3-.Ltmp1, $2  }
0x1f: {  	_ =	sdelay $0x2  }
0x20: {  	s17 =	sshra.s32 s17, $0x2  }
0x21: {  	[tilespmem:s17+$0x800] =	vst v8;
	s15 =	simm.s32 $0x0  }
0x22: {  	v10 =	vld [tilespmem:s15+$0x0];
	_ =	sdelay $0x4  }
0x23: {  	v11 =	vperm.xlane v10, v0;
	_ =	sdelay $0x1  }
0x24: {  	v11 =	vand.u32 v1, v11  }
0x25: {  	v11 =	vadd.s32 v10, v11  }
0x26: {  	v12 =	vperm.xlane v11, v2;
	_ =	sdelay $0x1  }
0x27: {  	v12 =	vand.u32 v3, v12  }
0x28: {  	v11 =	vadd.s32 v12, v11  }
0x29: {  	v12 =	vperm.xlane v11, v4;
	_ =	sdelay $0x1  }
0x2a: {  	v12 =	vand.u32 v7, v12  }
0x2b: {  	v13 =	vadd.s32 v12, v11  }
0x2c: {  	v28 =	vbroadcast v10, $0x0;
	v16 =	vperm.xlane v13, v6  }
0x2d: {  	v30 =	vbroadcast v10, $0x1;
	v38 =	vbroadcast v10, $0x2  }
0x2e: {  	v44 =	vbroadcast v10, $0x3;
	v51 =	vbroadcast v10, $0x4;
	v18 =	vand.u32 v9, v16  }
0x2f: {  	v58 =	vbroadcast v10, $0x5;
	v11 =	vor.u32 s8, v5;
	v18 =	vadd.s32 v18, v13  }
0x30: {  	v12 =	vbroadcast v11, $0xD;
	v15 =	vbroadcast v11, $0xB;
	v13 =	vadd.s32 $0xFFFFFFFF, v18  }
0x31: {  	v14 =	vbroadcast v11, $0xC;
	v22 =	vbroadcast v13, $0x0  }
0x32: {  	v33 =	vsub.s32 s8, v8;
	v17 =	vbroadcast v11, $0x9;
	v19 =	vbroadcast v11, $0x7  }
0x33: {  	v20 =	vbroadcast v11, $0x8;
	v25 =	vbroadcast v13, $0x1;
	v22 =	vsub.s32 v5, v22  }
0x34: {  	v21 =	vbroadcast v11, $0x6;
	v23 =	vbroadcast v11, $0x5;
	v27 =	vsub.s32 $0x0, v22  }
0x35: {  	v26 =	vbroadcast v11, $0x2;
	v25 =	vsub.s32 v5, v25;
	v22 =	vmin.u32 v22, v27  }
0x36: {  	v35 =	vbroadcast v13, $0x2;
	v34 =	vsub.s32 $0x0, v25;
	vm0 =	vlt.s32 v22, $0x1  }
0x37: {  	v27 =	vmul.u32 v33, v28;
	v25 =	vmin.u32 v25, v34;
	v22 =	vnsel vm0, $0x1, v22  }
0x38: {  	v29 =	vbroadcast v11, $0x1;
	vm13 =	vlt.s32 v25, $0x1;
	v22 =	vsub.s32 $0x1, v22  }
0x39: {  	v36 =	vsub.s32 v5, v35;
	v25 =	vnsel vm13, $0x1, v25;
	v22 =	vmul.u32 v22, v27  }
0x3a: {  	v31 =	vbroadcast v13, $0x3;
	v28 =	vsub.s32 $0x0, v36;
	v25 =	vsub.s32 $0x1, v25  }
0x3b: {  	v25 =	vmul.u32 v30, v25;
	v27 =	vmin.u32 v36, v28;
	v22 =	vadd.s32 v8, v22  }
0x3c: {  	(v2sf) =	vpush v18, $0xF;
	vm14 =	vlt.s32 v27, $0x1;
	v37 =	vsub.s32 v29, v22  }
0x3d: {  	v39 =	vsub.s32 v5, v31;
	v27 =	vnsel vm14, $0x1, v27;
	v25 =	vmul.u32 v37, v25  }
0x3e: {  	v41 =	vbroadcast v13, $0x4;
	v40 =	vsub.s32 $0x0, v39;
	v27 =	vsub.s32 $0x1, v27  }
0x3f: {  	v43 =	vmin.u32 v39, v40;
	v42 =	vmul.u32 v38, v27;
	v22 =	vadd.s32 v22, v25  }
0x40: {  	v18 =	vbroadcast v11, $0x3;
	vm15 =	vlt.s32 v43, $0x1;
	v26 =	vsub.s32 v26, v22  }
0x41: {  	v46 =	vsub.s32 v5, v41;
	v45 =	vnsel vm15, $0x1, v43;
	v25 =	vmul.u32 v26, v42  }
0x42: {  	v48 =	vbroadcast v13, $0x5;
	v47 =	vsub.s32 $0x0, v46;
	v26 =	vsub.s32 $0x1, v45  }
0x43: {  	v50 =	vmin.u32 v46, v47;
	v49 =	vmul.u32 v44, v26;
	v22 =	vadd.s32 v22, v25  }
0x44: {  	v24 =	vbroadcast v11, $0x4;
	vm4 =	vlt.s32 v50, $0x1;
	v18 =	vsub.s32 v18, v22  }
0x45: {  	v53 =	vsub.s32 v5, v48;
	v52 =	vnsel vm4, $0x1, v50;
	v18 =	vmul.u32 v18, v49  }
0x46: {  	v55 =	vbroadcast v13, $0x6;
	v54 =	vsub.s32 $0x0, v53;
	v25 =	vsub.s32 $0x1, v52  }
0x47: {  	v57 =	vmin.u32 v53, v54;
	v56 =	vmul.u32 v51, v25;
	v18 =	vadd.s32 v22, v18  }
0x48: {  	v16 =	vbroadcast v11, $0xA;
	vm5 =	vlt.s32 v57, $0x1;
	v24 =	vsub.s32 v24, v18  }
0x49: {  	v60 =	vsub.s32 v5, v55;
	v59 =	vnsel vm5, $0x1, v57;
	v22 =	vmul.u32 v24, v56  }
0x4a: {  	v62 =	vbroadcast v13, $0x7;
	v61 =	vsub.s32 $0x0, v60;
	v24 =	vsub.s32 $0x1, v59  }
0x4b: {  	v29 =	vmin.u32 v60, v61;
	v63 =	vmul.u32 v58, v24;
	v18 =	vadd.s32 v18, v22  }
0x4c: {  	v32 =	vsub.s32 v5, v62;
	vm6 =	vlt.s32 v29, $0x1;
	v23 =	vsub.s32 v23, v18  }
0x4d: {  	v30 =	vbroadcast v10, $0x6;
	v31 =	vnsel vm6, $0x1, v29;
	v22 =	vmul.u32 v23, v63  }
0x4e: {  	v33 =	vsub.s32 $0x0, v32;
	v34 =	vbroadcast v13, $0x8;
	v23 =	vsub.s32 $0x1, v31  }
0x4f: {  	v36 =	vmin.u32 v32, v33;
	v35 =	vmul.u32 v30, v23;
	v18 =	vadd.s32 v18, v22  }
0x50: {  	v39 =	vsub.s32 v5, v34;
	vm7 =	vlt.s32 v36, $0x1;
	v21 =	vsub.s32 v21, v18  }
0x51: {  	v37 =	vbroadcast v10, $0x7;
	v38 =	vnsel vm7, $0x1, v36;
	v21 =	vmul.u32 v21, v35  }
0x52: {  	v41 =	vbroadcast v13, $0x9;
	v40 =	vsub.s32 $0x0, v39;
	v22 =	vsub.s32 $0x1, v38  }
0x53: {  	v43 =	vmin.u32 v39, v40;
	v42 =	vmul.u32 v37, v22;
	v18 =	vadd.s32 v18, v21  }
0x54: {  	v46 =	vsub.s32 v5, v41;
	vm8 =	vlt.s32 v43, $0x1;
	v19 =	vsub.s32 v19, v18  }
0x55: {  	v45 =	vnsel vm8, $0x1, v43;
	v44 =	vbroadcast v10, $0x8;
	v19 =	vmul.u32 v19, v42  }
0x56: {  	v48 =	vbroadcast v13, $0xA;
	v47 =	vsub.s32 $0x0, v46;
	v21 =	vsub.s32 $0x1, v45  }
0x57: {  	v49 =	vmin.u32 v46, v47;
	v18 =	vadd.s32 v18, v19;
	v19 =	vmul.u32 v44, v21  }
0x58: {  	v50 =	vbroadcast v10, $0x9;
	vm9 =	vlt.s32 v49, $0x1;
	v20 =	vsub.s32 v20, v18  }
0x59: {  	v51 =	vsub.s32 v5, v48;
	v19 =	vmul.u32 v20, v19;
	v20 =	vnsel vm9, $0x1, v49  }
0x5a: {  	v53 =	vbroadcast v13, $0xB;
	v52 =	vsub.s32 $0x0, v51;
	v20 =	vsub.s32 $0x1, v20  }
0x5b: {  	v18 =	vadd.s32 v18, v19;
	v19 =	vmul.u32 v50, v20;
	v20 =	vmin.u32 v51, v52  }
0x5c: {  	v54 =	vbroadcast v10, $0xA;
	v17 =	vsub.s32 v17, v18;
	vm10 =	vlt.s32 v20, $0x1  }
0x5d: {  	v17 =	vmul.u32 v17, v19;
	v19 =	vnsel vm10, $0x1, v20;
	v20 =	vsub.s32 v5, v53  }
0x5e: {  	v56 =	vbroadcast v13, $0xC;
	v19 =	vsub.s32 $0x1, v19;
	v55 =	vsub.s32 $0x0, v20  }
0x5f: {  	v17 =	vadd.s32 v18, v17;
	v18 =	vmul.u32 v54, v19;
	v19 =	vmin.u32 v20, v55  }
0x60: {  	v20 =	vbroadcast v10, $0xB;
	v16 =	vsub.s32 v16, v17;
	vm11 =	vlt.s32 v19, $0x1  }
0x61: {  	v16 =	vmul.u32 v16, v18;
	v18 =	vnsel vm11, $0x1, v19;
	v19 =	vsub.s32 v5, v56  }
0x62: {  	v58 =	vbroadcast v13, $0xD;
	v18 =	vsub.s32 $0x1, v18;
	v57 =	vsub.s32 $0x0, v19  }
0x63: {  	v16 =	vadd.s32 v17, v16;
	v17 =	vmul.u32 v20, v18;
	v18 =	vmin.u32 v19, v57  }
0x64: {  	v19 =	vbroadcast v10, $0xC;
	v15 =	vsub.s32 v15, v16;
	vm12 =	vlt.s32 v18, $0x1  }
0x65: {  	v15 =	vmul.u32 v15, v17;
	v17 =	vnsel vm12, $0x1, v18;
	v18 =	vsub.s32 v5, v58  }
0x66: {  	v59 =	vbroadcast v13, $0xE;
	v17 =	vsub.s32 $0x1, v17;
	v20 =	vsub.s32 $0x0, v18  }
0x67: {  	v15 =	vadd.s32 v16, v15;
	v16 =	vmul.u32 v19, v17;
	v17 =	vmin.u32 v18, v20  }
0x68: {  	v18 =	vbroadcast v10, $0xD;
	v14 =	vsub.s32 v14, v15;
	vm13 =	vlt.s32 v17, $0x1  }
0x69: {  	v14 =	vmul.u32 v14, v16;
	v16 =	vnsel vm13, $0x1, v17;
	v17 =	vsub.s32 v5, v59  }
0x6a: {  	v13 =	vbroadcast v13, $0xF;
	v16 =	vsub.s32 $0x1, v16;
	v19 =	vsub.s32 $0x0, v17  }
0x6b: {  	v14 =	vadd.s32 v15, v14;
	v60 =	vmul.u32 v18, v16;
	v16 =	vmin.u32 v17, v19  }
0x6c: {  	v13 =	vsub.s32 v5, v13;
	v12 =	vsub.s32 v12, v14;
	vm14 =	vlt.s32 v16, $0x1  }
0x6d: {  	v17 =	vbroadcast v10, $0xE;
	v12 =	vmul.u32 v12, v60;
	v61 =	vnsel vm14, $0x1, v16  }
0x6e: {  	v18 =	vsub.s32 $0x0, v13;
	v16 =	vbroadcast v11, $0xE;
	v15 =	vsub.s32 $0x1, v61  }
0x6f: {  	v13 =	vmin.u32 v13, v18;
	v12 =	vadd.s32 v14, v12;
	v62 =	vmul.u32 v17, v15  }
0x70: {  	vm15 =	vlt.s32 v13, $0x1;
	v63 =	vsub.s32 v16, v12  }
0x71: {  	v10 =	vbroadcast v10, $0xF;
	v13 =	vnsel vm15, $0x1, v13;
	v14 =	vmul.u32 v63, v62  }
0x72: {  	v11 =	vbroadcast v11, $0xF;
	v13 =	vsub.s32 $0x1, v13  }
0x73: {  	v10 =	vmul.u32 v10, v13;
	v12 =	vadd.s32 v12, v14  }
0x74: {  	v11 =	vsub.s32 v11, v12  }
0x75: {  	v10 =	vmul.u32 v11, v10  }
0x76: {  	s31 =	spop (v2sf)  }
0x77: {  	s19 =	simm.s32 $0x10;
	s15 =	sadd.s32 $0x0, s31;
	v19 =	vadd.s32 v12, v10  }
0x78: {  	s18 =	simm.s32 $0x80;
	s17 =	smov.u32 s8;
	[tilespmem:s16+$0x800] =	vst v19;
	s16 =	smov.u32 s15  }
.LBB2_5:
0x79: {  	p0 =	sne.s32 s18, $0x1FC0;
	v10 =	vld [tilespmem:s19+$0x0];
	_ =	sdelay $0x4  }
0x7a: {  	v11 =	vperm.xlane v10, v0;
	_ =	sdelay $0x1  }
0x7b: {  	v11 =	vand.u32 v1, v11  }
0x7c: {  	v11 =	vadd.s32 v10, v11  }
0x7d: {  	v12 =	vperm.xlane v11, v2;
	_ =	sdelay $0x1  }
0x7e: {  	v12 =	vand.u32 v3, v12  }
0x7f: {  	v11 =	vadd.s32 v12, v11  }
0x80: {  	v12 =	vperm.xlane v11, v4;
	_ =	sdelay $0x1  }
0x81: {  	s17 =	sadd.s32 $0x10, s17;
	v12 =	vand.u32 v7, v12  }
0x82: {  	v13 =	vadd.s32 v12, v11;
	v11 =	vor.u32 s17, v5  }
0x83: {  	v16 =	vperm.xlane v13, v6;
	v12 =	vbroadcast v11, $0xD  }
0x84: {  	v15 =	vbroadcast v11, $0xB;
	v14 =	vbroadcast v11, $0xC  }
0x85: {  	v17 =	vbroadcast v11, $0x9;
	v18 =	vand.u32 v9, v16;
	v16 =	vbroadcast v11, $0xA  }
0x86: {  	v20 =	vbroadcast v11, $0x7;
	v21 =	vadd.s32 v18, v13;
	v18 =	vbroadcast v11, $0x8  }
0x87: {  	v22 =	vbroadcast v11, $0x6;
	v13 =	vadd.s32 $0xFFFFFFFF, v21;
	(v2sf) =	vpush v21, $0xF  }
0x88: {  	v23 =	vbroadcast v11, $0x5;
	v21 =	vbroadcast v13, $0x0  }
0x89: {  	v24 =	vbroadcast v11, $0x3;
	v25 =	vbroadcast v11, $0x4  }
0x8a: {  	v27 =	vbroadcast v11, $0x2;
	v26 =	vbroadcast v13, $0x1;
	v21 =	vsub.s32 v5, v21  }
0x8b: {  	v29 =	vbroadcast v10, $0x0;
	v30 =	vbroadcast v11, $0x1;
	v28 =	vsub.s32 $0x0, v21  }
0x8c: {  	v26 =	vsub.s32 v5, v26;
	v21 =	vmin.u32 v21, v28;
	v28 =	vsub.s32 s17, v19  }
0x8d: {  	vm0 =	vlt.s32 v21, $0x1;
	v28 =	vmul.u32 v28, v29;
	v29 =	vsub.s32 $0x0, v26  }
0x8e: {  	v21 =	vnsel vm0, $0x1, v21;
	v26 =	vmin.u32 v26, v29;
	v29 =	vbroadcast v13, $0x2  }
0x8f: {  	v31 =	vbroadcast v10, $0x1;
	v21 =	vsub.s32 $0x1, v21;
	vm0 =	vlt.s32 v26, $0x1  }
0x90: {  	v21 =	vmul.u32 v21, v28;
	v26 =	vnsel vm0, $0x1, v26;
	v28 =	vsub.s32 v5, v29  }
0x91: {  	v32 =	vbroadcast v13, $0x3;
	v26 =	vsub.s32 $0x1, v26;
	v29 =	vsub.s32 $0x0, v28  }
0x92: {  	v19 =	vadd.s32 v19, v21;
	v21 =	vmul.u32 v31, v26;
	v26 =	vmin.u32 v28, v29  }
0x93: {  	v29 =	vbroadcast v10, $0x2;
	v28 =	vsub.s32 v30, v19;
	vm0 =	vlt.s32 v26, $0x1  }
0x94: {  	v21 =	vmul.u32 v28, v21;
	v26 =	vnsel vm0, $0x1, v26;
	v28 =	vsub.s32 v5, v32  }
0x95: {  	v31 =	vbroadcast v13, $0x4;
	v26 =	vsub.s32 $0x1, v26;
	v30 =	vsub.s32 $0x0, v28  }
0x96: {  	v19 =	vadd.s32 v19, v21;
	v21 =	vmul.u32 v29, v26;
	v26 =	vmin.u32 v28, v30;
	s19 =	spop (v2sf)  }
0x97: {  	v28 =	vbroadcast v10, $0x3;
	v27 =	vsub.s32 v27, v19;
	vm0 =	vlt.s32 v26, $0x1;
	s15 =	sadd.s32 s15, s19  }
0x98: {  	v21 =	vmul.u32 v27, v21;
	v26 =	vnsel vm0, $0x1, v26;
	v27 =	vsub.s32 v5, v31  }
0x99: {  	v30 =	vbroadcast v13, $0x5;
	v26 =	vsub.s32 $0x1, v26;
	v29 =	vsub.s32 $0x0, v27  }
0x9a: {  	v19 =	vadd.s32 v19, v21;
	v21 =	vmul.u32 v28, v26;
	v26 =	vmin.u32 v27, v29  }
0x9b: {  	v27 =	vbroadcast v10, $0x4;
	v24 =	vsub.s32 v24, v19;
	vm0 =	vlt.s32 v26, $0x1  }
0x9c: {  	v21 =	vmul.u32 v24, v21;
	v24 =	vnsel vm0, $0x1, v26;
	v26 =	vsub.s32 v5, v30  }
0x9d: {  	v29 =	vbroadcast v13, $0x6;
	v24 =	vsub.s32 $0x1, v24;
	v28 =	vsub.s32 $0x0, v26  }
0x9e: {  	v19 =	vadd.s32 v19, v21;
	v21 =	vmul.u32 v27, v24;
	v24 =	vmin.u32 v26, v28  }
0x9f: {  	v26 =	vbroadcast v10, $0x5;
	v25 =	vsub.s32 v25, v19;
	vm0 =	vlt.s32 v24, $0x1  }
0xa0: {  	v21 =	vmul.u32 v25, v21;
	v24 =	vnsel vm0, $0x1, v24;
	v25 =	vsub.s32 v5, v29  }
0xa1: {  	v28 =	vbroadcast v13, $0x7;
	v24 =	vsub.s32 $0x1, v24;
	v27 =	vsub.s32 $0x0, v25  }
0xa2: {  	v19 =	vadd.s32 v19, v21;
	v21 =	vmul.u32 v26, v24;
	v24 =	vmin.u32 v25, v27  }
0xa3: {  	v25 =	vbroadcast v10, $0x6;
	v23 =	vsub.s32 v23, v19;
	vm0 =	vlt.s32 v24, $0x1  }
0xa4: {  	v21 =	vmul.u32 v23, v21;
	v23 =	vnsel vm0, $0x1, v24;
	v24 =	vsub.s32 v5, v28  }
0xa5: {  	v27 =	vbroadcast v13, $0x8;
	v23 =	vsub.s32 $0x1, v23;
	v26 =	vsub.s32 $0x0, v24  }
0xa6: {  	v19 =	vadd.s32 v19, v21;
	v21 =	vmul.u32 v25, v23;
	v23 =	vmin.u32 v24, v26  }
0xa7: {  	v24 =	vbroadcast v10, $0x7;
	v22 =	vsub.s32 v22, v19;
	vm0 =	vlt.s32 v23, $0x1  }
0xa8: {  	v21 =	vmul.u32 v22, v21;
	v22 =	vnsel vm0, $0x1, v23;
	v23 =	vsub.s32 v5, v27  }
0xa9: {  	v26 =	vbroadcast v13, $0x9;
	v22 =	vsub.s32 $0x1, v22;
	v25 =	vsub.s32 $0x0, v23  }
0xaa: {  	v19 =	vadd.s32 v19, v21;
	v21 =	vmul.u32 v24, v22;
	v22 =	vmin.u32 v23, v25  }
0xab: {  	v23 =	vbroadcast v10, $0x8;
	v20 =	vsub.s32 v20, v19;
	vm0 =	vlt.s32 v22, $0x1  }
0xac: {  	v20 =	vmul.u32 v20, v21;
	v21 =	vnsel vm0, $0x1, v22;
	v22 =	vsub.s32 v5, v26  }
0xad: {  	v25 =	vbroadcast v13, $0xA;
	v21 =	vsub.s32 $0x1, v21;
	v24 =	vsub.s32 $0x0, v22  }
0xae: {  	v19 =	vadd.s32 v19, v20;
	v20 =	vmul.u32 v23, v21;
	v21 =	vmin.u32 v22, v24  }
0xaf: {  	v22 =	vbroadcast v10, $0x9;
	v18 =	vsub.s32 v18, v19;
	vm0 =	vlt.s32 v21, $0x1  }
0xb0: {  	v18 =	vmul.u32 v18, v20;
	v20 =	vnsel vm0, $0x1, v21;
	v21 =	vsub.s32 v5, v25  }
0xb1: {  	v24 =	vbroadcast v13, $0xB;
	v20 =	vsub.s32 $0x1, v20;
	v23 =	vsub.s32 $0x0, v21  }
0xb2: {  	v18 =	vadd.s32 v19, v18;
	v19 =	vmul.u32 v22, v20;
	v20 =	vmin.u32 v21, v23  }
0xb3: {  	v21 =	vbroadcast v10, $0xA;
	v17 =	vsub.s32 v17, v18;
	vm0 =	vlt.s32 v20, $0x1  }
0xb4: {  	v17 =	vmul.u32 v17, v19;
	v19 =	vnsel vm0, $0x1, v20;
	v20 =	vsub.s32 v5, v24  }
0xb5: {  	v23 =	vbroadcast v13, $0xC;
	v19 =	vsub.s32 $0x1, v19;
	v22 =	vsub.s32 $0x0, v20  }
0xb6: {  	v17 =	vadd.s32 v18, v17;
	v18 =	vmul.u32 v21, v19;
	v19 =	vmin.u32 v20, v22  }
0xb7: {  	v20 =	vbroadcast v10, $0xB;
	v16 =	vsub.s32 v16, v17;
	vm0 =	vlt.s32 v19, $0x1  }
0xb8: {  	v16 =	vmul.u32 v16, v18;
	v18 =	vnsel vm0, $0x1, v19;
	v19 =	vsub.s32 v5, v23  }
0xb9: {  	v22 =	vbroadcast v13, $0xD;
	v18 =	vsub.s32 $0x1, v18;
	v21 =	vsub.s32 $0x0, v19  }
0xba: {  	v16 =	vadd.s32 v17, v16;
	v17 =	vmul.u32 v20, v18;
	v18 =	vmin.u32 v19, v21  }
0xbb: {  	v19 =	vbroadcast v10, $0xC;
	v15 =	vsub.s32 v15, v16;
	vm0 =	vlt.s32 v18, $0x1  }
0xbc: {  	v15 =	vmul.u32 v15, v17;
	v17 =	vnsel vm0, $0x1, v18;
	v18 =	vsub.s32 v5, v22  }
0xbd: {  	v21 =	vbroadcast v13, $0xE;
	v17 =	vsub.s32 $0x1, v17;
	v20 =	vsub.s32 $0x0, v18  }
0xbe: {  	v15 =	vadd.s32 v16, v15;
	v16 =	vmul.u32 v19, v17;
	v17 =	vmin.u32 v18, v20  }
0xbf: {  	v18 =	vbroadcast v10, $0xD;
	v14 =	vsub.s32 v14, v15;
	vm0 =	vlt.s32 v17, $0x1  }
0xc0: {  	v14 =	vmul.u32 v14, v16;
	v16 =	vnsel vm0, $0x1, v17;
	v17 =	vsub.s32 v5, v21  }
0xc1: {  	v13 =	vbroadcast v13, $0xF;
	v16 =	vsub.s32 $0x1, v16;
	v19 =	vsub.s32 $0x0, v17  }
0xc2: {  	v14 =	vadd.s32 v15, v14;
	v15 =	vmul.u32 v18, v16;
	v16 =	vmin.u32 v17, v19  }
0xc3: {  	v17 =	vbroadcast v10, $0xE;
	v12 =	vsub.s32 v12, v14;
	vm0 =	vlt.s32 v16, $0x1  }
0xc4: {  	v13 =	vsub.s32 v5, v13;
	v12 =	vmul.u32 v12, v15;
	v15 =	vnsel vm0, $0x1, v16  }
0xc5: {  	v18 =	vsub.s32 $0x0, v13;
	v16 =	vbroadcast v11, $0xE;
	v15 =	vsub.s32 $0x1, v15  }
0xc6: {  	v13 =	vmin.u32 v13, v18;
	v12 =	vadd.s32 v14, v12;
	v14 =	vmul.u32 v17, v15  }
0xc7: {  	vm0 =	vlt.s32 v13, $0x1;
	v15 =	vsub.s32 v16, v12  }
0xc8: {  	v10 =	vbroadcast v10, $0xF;
	v13 =	vnsel vm0, $0x1, v13;
	v14 =	vmul.u32 v15, v14  }
0xc9: {  	v11 =	vbroadcast v11, $0xF;
	v13 =	vsub.s32 $0x1, v13  }
0xca: {  	v10 =	vmul.u32 v10, v13;
	v12 =	vadd.s32 v12, v14  }
.Ltmp2:
0xcb: {  	v11 =	vsub.s32 v11, v12;
	(pc) =	sbr.rel @p0 .LBB2_5-.Ltmp2, $3  }
0xcc: {  	v10 =	vmul.u32 v11, v10;
	_ =	sdelay $0x1  }
0xcd: {  	v19 =	vadd.s32 v12, v10  }
0xce: {  	s19 =	sshra.s32 s18, $0x2;
	s18 =	sadd.s32 $0x40, s18;
	[tilespmem:s16+$0x800] =	vst v19;
	s16 =	smov.u32 s15  }
0xcf: {  	v10 =	vld [tilespmem:s19+$0x0];
	_ =	sdelay $0x4  }
0xd0: {  	v11 =	vperm.xlane v10, v0;
	_ =	sdelay $0x1  }
0xd1: {  	v11 =	vand.u32 v1, v11  }
0xd2: {  	v11 =	vadd.s32 v10, v11  }
0xd3: {  	v12 =	vperm.xlane v11, v2;
	_ =	sdelay $0x1  }
0xd4: {  	v12 =	vand.u32 v3, v12  }
0xd5: {  	v11 =	vadd.s32 v12, v11  }
0xd6: {  	v12 =	vperm.xlane v11, v4;
	_ =	sdelay $0x1  }
0xd7: {  	v12 =	vand.u32 v7, v12  }
0xd8: {  	v13 =	vadd.s32 v12, v11  }
0xd9: {  	v29 =	vbroadcast v10, $0x0;
	v16 =	vperm.xlane v13, v6  }
0xda: {  	v31 =	vbroadcast v10, $0x1;
	v48 =	vbroadcast v10, $0x2  }
0xdb: {  	s17 =	sadd.s32 $0x10, s17;
	v54 =	vbroadcast v10, $0x3;
	v60 =	vbroadcast v10, $0x4;
	v18 =	vand.u32 v9, v16  }
0xdc: {  	v35 =	vbroadcast v10, $0x5;
	v11 =	vor.u32 s17, v5;
	v18 =	vadd.s32 v18, v13  }
0xdd: {  	v12 =	vbroadcast v11, $0xD;
	v15 =	vbroadcast v11, $0xB;
	v13 =	vadd.s32 $0xFFFFFFFF, v18  }
0xde: {  	v17 =	vbroadcast v11, $0x9;
	v23 =	vbroadcast v13, $0x0  }
0xdf: {  	v40 =	vsub.s32 s17, v19;
	v20 =	vbroadcast v11, $0x7;
	v21 =	vbroadcast v11, $0x8  }
0xe0: {  	v22 =	vbroadcast v11, $0x6;
	v26 =	vbroadcast v13, $0x1;
	v23 =	vsub.s32 v5, v23  }
0xe1: {  	v24 =	vbroadcast v11, $0x5;
	v39 =	vbroadcast v11, $0x3;
	v28 =	vsub.s32 $0x0, v23  }
0xe2: {  	v25 =	vbroadcast v11, $0x4;
	v26 =	vsub.s32 v5, v26;
	v23 =	vmin.u32 v23, v28  }
0xe3: {  	v42 =	vbroadcast v13, $0x2;
	v41 =	vsub.s32 $0x0, v26;
	vm0 =	vlt.s32 v23, $0x1  }
0xe4: {  	v28 =	vmul.u32 v40, v29;
	v26 =	vmin.u32 v26, v41;
	v23 =	vnsel vm0, $0x1, v23  }
0xe5: {  	v30 =	vbroadcast v11, $0x1;
	vm13 =	vlt.s32 v26, $0x1;
	v23 =	vsub.s32 $0x1, v23  }
0xe6: {  	v43 =	vsub.s32 v5, v42;
	v26 =	vnsel vm13, $0x1, v26;
	v23 =	vmul.u32 v23, v28  }
0xe7: {  	v32 =	vbroadcast v13, $0x3;
	v29 =	vsub.s32 $0x0, v43;
	v26 =	vsub.s32 $0x1, v26  }
0xe8: {  	v46 =	vmin.u32 v43, v29;
	v45 =	vmul.u32 v31, v26;
	v44 =	vadd.s32 v19, v23  }
0xe9: {  	v27 =	vbroadcast v11, $0x2;
	vm14 =	vlt.s32 v46, $0x1;
	v47 =	vsub.s32 v30, v44  }
0xea: {  	v49 =	vsub.s32 v5, v32;
	v26 =	vnsel vm14, $0x1, v46;
	v23 =	vmul.u32 v47, v45  }
0xeb: {  	v51 =	vbroadcast v13, $0x4;
	v50 =	vsub.s32 $0x0, v49;
	v26 =	vsub.s32 $0x1, v26  }
0xec: {  	v53 =	vmin.u32 v49, v50;
	v52 =	vmul.u32 v48, v26;
	v19 =	vadd.s32 v44, v23  }
0xed: {  	(v2sf) =	vpush v18, $0xF;
	vm15 =	vlt.s32 v53, $0x1;
	v27 =	vsub.s32 v27, v19  }
0xee: {  	v55 =	vsub.s32 v5, v51;
	v26 =	vnsel vm15, $0x1, v53;
	v23 =	vmul.u32 v27, v52  }
0xef: {  	v57 =	vbroadcast v13, $0x5;
	v56 =	vsub.s32 $0x0, v55;
	v26 =	vsub.s32 $0x1, v26  }
0xf0: {  	v59 =	vmin.u32 v55, v56;
	v58 =	vmul.u32 v54, v26;
	v19 =	vadd.s32 v19, v23  }
0xf1: {  	v38 =	vbroadcast v13, $0x7;
	vm4 =	vlt.s32 v59, $0x1;
	v18 =	vsub.s32 v39, v19  }
0xf2: {  	v62 =	vsub.s32 v5, v57;
	v61 =	vnsel vm4, $0x1, v59;
	v18 =	vmul.u32 v18, v58  }
0xf3: {  	v32 =	vbroadcast v13, $0x6;
	v63 =	vsub.s32 $0x0, v62;
	v23 =	vsub.s32 $0x1, v61  }
0xf4: {  	v34 =	vmin.u32 v62, v63;
	v33 =	vmul.u32 v60, v23;
	v18 =	vadd.s32 v19, v18  }
0xf5: {  	v42 =	vsub.s32 v5, v38;
	vm5 =	vlt.s32 v34, $0x1;
	v25 =	vsub.s32 v25, v18  }
0xf6: {  	v36 =	vsub.s32 v5, v32;
	v23 =	vnsel vm5, $0x1, v34;
	v19 =	vmul.u32 v25, v33  }
0xf7: {  	v41 =	vbroadcast v10, $0x6;
	v37 =	vsub.s32 $0x0, v36;
	v23 =	vsub.s32 $0x1, v23  }
0xf8: {  	v40 =	vmin.u32 v36, v37;
	v39 =	vmul.u32 v35, v23;
	v18 =	vadd.s32 v18, v19  }
0xf9: {  	v43 =	vsub.s32 $0x0, v42;
	vm6 =	vlt.s32 v40, $0x1;
	v24 =	vsub.s32 v24, v18  }
0xfa: {  	v46 =	vmin.u32 v42, v43;
	v23 =	vnsel vm6, $0x1, v40;
	v19 =	vmul.u32 v24, v39  }
0xfb: {  	v16 =	vbroadcast v11, $0xA;
	vm7 =	vlt.s32 v46, $0x1;
	v23 =	vsub.s32 $0x1, v23  }
0xfc: {  	v44 =	vbroadcast v13, $0x8;
	v45 =	vmul.u32 v41, v23;
	v18 =	vadd.s32 v18, v19  }
0xfd: {  	v51 =	vbroadcast v13, $0x9;
	v48 =	vnsel vm7, $0x1, v46;
	v22 =	vsub.s32 v22, v18  }
0xfe: {  	v47 =	vbroadcast v10, $0x7;
	v49 =	vsub.s32 v5, v44;
	v19 =	vmul.u32 v22, v45  }
0xff: {  	v56 =	vsub.s32 v5, v51;
	v50 =	vsub.s32 $0x0, v49;
	v22 =	vsub.s32 $0x1, v48  }
0x100: {  	v53 =	vmin.u32 v49, v50;
	v52 =	vmul.u32 v47, v22;
	v18 =	vadd.s32 v18, v19  }
0x101: {  	v57 =	vsub.s32 $0x0, v56;
	vm8 =	vlt.s32 v53, $0x1;
	v20 =	vsub.s32 v20, v18  }
0x102: {  	v54 =	vbroadcast v10, $0x8;
	v55 =	vnsel vm8, $0x1, v53;
	v19 =	vmul.u32 v20, v52  }
0x103: {  	v38 =	vbroadcast v10, $0xB;
	v60 =	vmin.u32 v56, v57;
	v20 =	vsub.s32 $0x1, v55  }
0x104: {  	v58 =	vbroadcast v13, $0xA;
	v59 =	vmul.u32 v54, v20;
	v18 =	vadd.s32 v18, v19  }
0x105: {  	v61 =	vbroadcast v10, $0x9;
	vm9 =	vlt.s32 v60, $0x1;
	v21 =	vsub.s32 v21, v18  }
0x106: {  	v62 =	vsub.s32 v5, v58;
	v20 =	vnsel vm9, $0x1, v60;
	v19 =	vmul.u32 v21, v59  }
0x107: {  	v28 =	vbroadcast v13, $0xB;
	v63 =	vsub.s32 $0x0, v62;
	v20 =	vsub.s32 $0x1, v20  }
0x108: {  	v30 =	vmin.u32 v62, v63;
	v29 =	vmul.u32 v61, v20;
	v18 =	vadd.s32 v18, v19  }
0x109: {  	v31 =	vbroadcast v10, $0xA;
	vm10 =	vlt.s32 v30, $0x1;
	v17 =	vsub.s32 v17, v18  }
0x10a: {  	v33 =	vsub.s32 v5, v28;
	v32 =	vnsel vm10, $0x1, v30;
	v17 =	vmul.u32 v17, v29  }
0x10b: {  	v35 =	vbroadcast v13, $0xC;
	v34 =	vsub.s32 $0x0, v33;
	v19 =	vsub.s32 $0x1, v32  }
0x10c: {  	v37 =	vmin.u32 v33, v34;
	v36 =	vmul.u32 v31, v19;
	v17 =	vadd.s32 v18, v17  }
0x10d: {  	v40 =	vsub.s32 v5, v35;
	vm11 =	vlt.s32 v37, $0x1;
	v16 =	vsub.s32 v16, v17  }
0x10e: {  	v41 =	vsub.s32 $0x0, v40;
	v39 =	vnsel vm11, $0x1, v37;
	v16 =	vmul.u32 v16, v36  }
0x10f: {  	v42 =	vbroadcast v13, $0xD;
	v44 =	vmin.u32 v40, v41;
	v18 =	vsub.s32 $0x1, v39  }
0x110: {  	vm12 =	vlt.s32 v44, $0x1;
	v43 =	vmul.u32 v38, v18;
	v16 =	vadd.s32 v17, v16  }
0x111: {  	v14 =	vbroadcast v11, $0xC;
	v46 =	vnsel vm12, $0x1, v44;
	v15 =	vsub.s32 v15, v16  }
0x112: {  	v45 =	vbroadcast v10, $0xC;
	v47 =	vsub.s32 v5, v42;
	v15 =	vmul.u32 v15, v43  }
0x113: {  	v49 =	vbroadcast v13, $0xE;
	v48 =	vsub.s32 $0x0, v47;
	v17 =	vsub.s32 $0x1, v46  }
0x114: {  	v51 =	vmin.u32 v47, v48;
	v50 =	vmul.u32 v45, v17;
	v15 =	vadd.s32 v16, v15  }
0x115: {  	vm13 =	vlt.s32 v51, $0x1;
	v52 =	vbroadcast v10, $0xD;
	v14 =	vsub.s32 v14, v15  }
0x116: {  	v53 =	vnsel vm13, $0x1, v51;
	v54 =	vsub.s32 v5, v49;
	v14 =	vmul.u32 v14, v50  }
0x117: {  	v13 =	vbroadcast v13, $0xF;
	v55 =	vsub.s32 $0x0, v54;
	v16 =	vsub.s32 $0x1, v53  }
0x118: {  	v57 =	vmin.u32 v54, v55;
	v56 =	vmul.u32 v52, v16;
	v14 =	vadd.s32 v15, v14  }
0x119: {  	v58 =	vbroadcast v10, $0xE;
	vm14 =	vlt.s32 v57, $0x1;
	v12 =	vsub.s32 v12, v14  }
0x11a: {  	v13 =	vsub.s32 v5, v13;
	v59 =	vnsel vm14, $0x1, v57;
	v12 =	vmul.u32 v12, v56  }
0x11b: {  	v60 =	vbroadcast v11, $0xE;
	v61 =	vsub.s32 $0x0, v13;
	v15 =	vsub.s32 $0x1, v59  }
0x11c: {  	v13 =	vmin.u32 v13, v61;
	v62 =	vmul.u32 v58, v15;
	v12 =	vadd.s32 v14, v12  }
0x11d: {  	vm15 =	vlt.s32 v13, $0x1;
	v63 =	vsub.s32 v60, v12  }
0x11e: {  	v10 =	vbroadcast v10, $0xF;
	v13 =	vnsel vm15, $0x1, v13;
	v14 =	vmul.u32 v63, v62  }
0x11f: {  	v11 =	vbroadcast v11, $0xF;
	v13 =	vsub.s32 $0x1, v13  }
0x120: {  	v10 =	vmul.u32 v10, v13;
	v12 =	vadd.s32 v12, v14  }
0x121: {  	v11 =	vsub.s32 v11, v12  }
0x122: {  	v10 =	vmul.u32 v11, v10  }
0x123: {  	s31 =	spop (v2sf)  }
0x124: {  	s15 =	sadd.s32 s15, s31;
	v10 =	vadd.s32 v12, v10  }
0x125: {  	[tilespmem:s16+$0x800] =	vst v10;
	v10 =	vmov s15  }
0x126: {  	[tilespmem:$0x9000] =	vst v10  }
0x127: {  	[tilespmem:s11], [sflag:$0x1] =	stream.indirect.gather [hbm4b:s3+s10], $0x10, s10, s10, $0xb8;
	[tilespmem:$0x9010] =	vst v63  }
0x128: {  	_ =	swait.ge [sflag:s12], $0x8000  }
0x129: {  	[sflag:s12] =	ssyncset.done $0x0  }
0x12a: {  	[sflag:s12] =	ssyncadd.s32 $0xFFFF8000  }
0x12b: {  	[hbm4b:s4+s2] =	stream.linear.scatter [tilespmem:s11], [sflag:$0x2], $0x8000, $0x38;
	[tilespmem:$0x9010] =	vst v63  }
0x12c: {  	s14 =	sadd.s32 $0x1, s14;
	_ =	swait.ge [sflag:s9], $0x8000  }
0x12d: {  	p0 =	sne.s32 s14, s7;
	[sflag:s9] =	ssyncset.done $0x0  }
.Ltmp3:
0x12e: {  	[sflag:s9] =	ssyncadd.s32 $0xFFFF8000;
	(pc) =	sbr.rel @p0 .LBB2_2-.Ltmp3, $4  }
0x12f: {  	[hbm4b:s5+s2] =	stream.linear.scatter [tilespmem:s13], [sflag:$0x2], $0x10, $0x38;
	[tilespmem:$0x9010] =	vst v63  }
0x130: {  	_ =	swait.ge [sflag:s9], $0x10  }
0x131: {  	[sflag:s9] =	ssyncset.done $0x0  }
0x132: {  	[sflag:s9] =	ssyncadd.s32 $0xFFFFFFF0  }
.LBB2_7:
0x133: {  	_ =	sfence.sel $0x180000  }
0x134: {  	[bflag:$0x0] =	sbarrier.arrive $0xFFFF  }
0x135: {  	p0 =	sne.s32 s1, $0x0;
	_ =	strace $0x90000047  }
0x136: {  	s0 =	sadd.s32 @!p0 $0x100000, s0;
	[bflag:$0x2] =	sbarrier.arrive $0xFFFF  }
0x137: {  	[sflag:s0] =	ssyncadd.tile.s32 @!p0 $0x1;
	_ =	shalt  }
.Lfunc_end2:
_tile_overlayer_lowered:
.L_overlay_start_2:
0x138: {  	(tag) =	ssettag $0x2  }
0x139: {  	s0 =	rddreg [dreg:$0x0];
	s2 =	stileid.u32  }
0x13a: {  	s1 =	rddreg [dreg:$0x1];
	p0 =	sne.s32 s2, $0x0  }
0x13b: {  	s3 =	rddreg [dreg:$0x2];
	[bflag:$0x3] =	sbarrier.arrive $0xFFFF;
	s2 =	simm.s32 @!p0 $0x1C02  }
0x13c: {  	[timem:s3], [sflag:s2] =	dma.local @!p0 [hbm:s0], s1  }
0x13d: {  	s0 =	simm.s32 @!p0 $0x2  }
0x13e: {  	_ =	swait.ge @!p0 [sflag:s0], s1  }
0x13f: {  	s1 =	ssub.s32 @!p0 $0x0, s1;
	[sflag:s0] =	ssyncset.done @!p0 $0x0  }
0x140: {  	[sflag:s0] =	ssyncadd.s32 @!p0 s1  }
0x141: {  	[bflag:$0x3] =	sbarrier.arrive $0xFFFF  }
0x142: {  	_ =	shalt  }

</sc_bundles>
